<compile_context>
chip_gen: v7x
topology: tpu7x:2x2x1
jax: 0.10.2.dev20260603
libtpu: 0.0.44.dev20260713+nightly
codegen_flags: <defaults>
</compile_context>

<pallas_src>
import jax
import jax.numpy as jnp
from jax import lax
from jax.experimental import pallas as pl
from jax.experimental.pallas import tpu as pltpu
from jax.experimental.pallas import tpu_sc as plsc

_B, _N, _C = 8, 2048, 128
_K = 5
_CL = 2
_RB = 256
_SQRT_C = float(_C) ** 0.5


def _row(v):
    return jnp.reshape(v, (1, -1))


def _d2_block(xr_b, xf_b, sqr_col, sqf_row):
    dot = lax.dot_general(xr_b, xf_b, (((1,), (1,)), ((), ())),
                          preferred_element_type=jnp.float32)
    return sqr_col + sqf_row - 2.0 * dot


def _to_dist(d2):
    return jnp.sqrt(jnp.maximum(d2, 0.0)) / jnp.float32(_SQRT_C)



def _pass1_body(xnbr_ref, xnbf_ref, sqr_ref, sqf_ref, noise_ref,
                den_ref, dmax_ref):
    sqr_col = jnp.reshape(sqr_ref[0], (_RB, 1))
    d2 = _d2_block(xnbr_ref[0], xnbf_ref[0], sqr_col, sqf_ref[0])

    colid = lax.broadcasted_iota(jnp.int32, (_RB, _N), 1)
    work = d2
    total = jnp.zeros((_RB, 1), jnp.float32)
    for _ in range(_K):
        m = jnp.min(work, axis=1, keepdims=True)
        md = _to_dist(m)
        total = total + md * md
        jmin = jnp.min(jnp.where(work == m, colid, _N), axis=1, keepdims=True)
        work = jnp.where(colid == jmin, jnp.float32(jnp.inf), work)

    den_col = jnp.exp(-(total / jnp.float32(_K)))
    den_ref[0] = _row(den_col) + noise_ref[0]

    bm = jnp.max(d2, keepdims=True).reshape(1, 1, 1)
    rb = pl.program_id(1)

    @pl.when(rb == 0)
    def _():
        dmax_ref[...] = bm

    @pl.when(rb != 0)
    def _():
        dmax_ref[...] = jnp.maximum(dmax_ref[...], bm)


def _pass1(xnb, sq, noise):
    nrb = _N // _RB
    return pl.pallas_call(
        _pass1_body,
        grid=(_B, nrb),
        in_specs=[
            pl.BlockSpec((1, _RB, _C), lambda i, j: (i, j, 0)),
            pl.BlockSpec((1, _N, _C), lambda i, j: (i, 0, 0)),
            pl.BlockSpec((1, 1, _RB), lambda i, j: (i, 0, j)),
            pl.BlockSpec((1, 1, _N), lambda i, j: (i, 0, 0)),
            pl.BlockSpec((1, 1, _RB), lambda i, j: (i, 0, j)),
        ],
        out_specs=[
            pl.BlockSpec((1, 1, _RB), lambda i, j: (i, 0, j)),
            pl.BlockSpec((1, 1, 1), lambda i, j: (i, 0, 0)),
        ],
        out_shape=[
            jax.ShapeDtypeStruct((_B, 1, _N), jnp.float32),
            jax.ShapeDtypeStruct((_B, 1, 1), jnp.float32),
        ],
        compiler_params=pltpu.CompilerParams(
            dimension_semantics=("parallel", "arbitrary")),
    )(xnb, xnb, sq, sq, noise)



def _pass2_body(xnbr_ref, xnbf_ref, sqr_ref, sqf_ref, denf_ref, denr_ref,
                dmax_ref, out_ref):
    sqr_col = jnp.reshape(sqr_ref[0], (_RB, 1))
    d2 = _d2_block(xnbr_ref[0], xnbf_ref[0], sqr_col, sqf_ref[0])

    den_row = denf_ref[0]
    den_col = jnp.reshape(denr_ref[0], (_RB, 1))
    dmax2 = dmax_ref[0]
    mask = den_row > den_col
    dmin = _to_dist(jnp.min(jnp.where(mask, d2, dmax2), axis=1, keepdims=True))
    out_ref[0] = _row(dmin * den_col)


def _pass2(xnb, sq, den, dmax):
    nrb = _N // _RB
    return pl.pallas_call(
        _pass2_body,
        grid=(_B, nrb),
        in_specs=[
            pl.BlockSpec((1, _RB, _C), lambda i, j: (i, j, 0)),
            pl.BlockSpec((1, _N, _C), lambda i, j: (i, 0, 0)),
            pl.BlockSpec((1, 1, _RB), lambda i, j: (i, 0, j)),
            pl.BlockSpec((1, 1, _N), lambda i, j: (i, 0, 0)),
            pl.BlockSpec((1, 1, _N), lambda i, j: (i, 0, 0)),
            pl.BlockSpec((1, 1, _RB), lambda i, j: (i, 0, j)),
            pl.BlockSpec((1, 1, 1), lambda i, j: (i, 0, 0)),
        ],
        out_specs=pl.BlockSpec((1, 1, _RB), lambda i, j: (i, 0, j)),
        out_shape=jax.ShapeDtypeStruct((_B, 1, _N), jnp.float32),
        compiler_params=pltpu.CompilerParams(
            dimension_semantics=("parallel", "arbitrary")),
    )(xnb, xnb, sq, sq, den, den, dmax)



def _finalize_body(xn_ref, xnb_ref, sqf_ref, sc_ref, ts_ref,
                   xm_ref, cl_ref, nw_ref):
    s = sc_ref[0]
    colid = lax.broadcasted_iota(jnp.int32, (1, _N), 1)
    m0 = jnp.max(s, keepdims=True)
    i0 = jnp.min(jnp.where(s == m0, colid, _N), keepdims=True)
    s2 = jnp.where(colid == i0, -jnp.float32(jnp.inf), s)
    m1 = jnp.max(s2, keepdims=True)
    i1 = jnp.min(jnp.where(s2 == m1, colid, _N), keepdims=True)

    rowid2 = lax.broadcasted_iota(jnp.int32, (_CL, _N), 0)
    cid2 = lax.broadcasted_iota(jnp.int32, (_CL, _N), 1)
    sel = jnp.where(rowid2 == 0, i0, i1)
    oh = (cid2 == sel).astype(jnp.bfloat16)
    xnb = xnb_ref[0]
    xc = lax.dot_general(oh, xnb, (((1,), (0,)), ((), ())),
                         preferred_element_type=jnp.float32)

    sqf = sqf_ref[0]
    sq0 = jnp.sum(jnp.where(colid == i0, sqf, 0.0), keepdims=True)
    sq1 = jnp.sum(jnp.where(colid == i1, sqf, 0.0), keepdims=True)
    sqc_col = jnp.where(lax.broadcasted_iota(jnp.int32, (_CL, 1), 0) == 0,
                        sq0, sq1)

    dot2 = lax.dot_general(xc.astype(jnp.bfloat16), xnb,
                           (((1,), (1,)), ((), ())),
                           preferred_element_type=jnp.float32)
    d2 = sqc_col + sqf - 2.0 * dot2
    dsel = jnp.sqrt(jnp.maximum(d2, 0.0)) / jnp.float32(_SQRT_C)

    cl = (dsel[1:2, :] < dsel[0:1, :]).astype(jnp.int32)
    cl = jnp.where(colid == i0, 0, cl)
    cl = jnp.where(colid == i1, 1, cl)

    tw = jnp.exp(ts_ref[0])
    c1 = cl.astype(jnp.float32)
    c0 = 1.0 - c1
    aw0 = jnp.sum(tw * c0, keepdims=True) + 1e-6
    aw1 = jnp.sum(tw * c1, keepdims=True) + 1e-6
    nw = tw / jnp.where(cl == 1, aw1, aw0)

    wmat = jnp.concatenate([nw * c0, nw * c1], axis=0)
    xm = lax.dot_general(wmat, xn_ref[0], (((1,), (0,)), ((), ())),
                         precision=lax.Precision.HIGHEST,
                         preferred_element_type=jnp.float32)

    xm_ref[0] = xm
    cl_ref[0] = cl
    nw_ref[0] = nw


def _finalize(xn, xnb, sq, score_c, ts):
    return pl.pallas_call(
        _finalize_body,
        grid=(_B,),
        in_specs=[
            pl.BlockSpec((1, _N, _C), lambda i: (i, 0, 0)),
            pl.BlockSpec((1, _N, _C), lambda i: (i, 0, 0)),
            pl.BlockSpec((1, 1, _N), lambda i: (i, 0, 0)),
            pl.BlockSpec((1, 1, _N), lambda i: (i, 0, 0)),
            pl.BlockSpec((1, 1, _N), lambda i: (i, 0, 0)),
        ],
        out_specs=[
            pl.BlockSpec((1, _CL, _C), lambda i: (i, 0, 0)),
            pl.BlockSpec((1, 1, _N), lambda i: (i, 0, 0)),
            pl.BlockSpec((1, 1, _N), lambda i: (i, 0, 0)),
        ],
        out_shape=[
            jax.ShapeDtypeStruct((_B, _CL, _C), jnp.float32),
            jax.ShapeDtypeStruct((_B, 1, _N), jnp.int32),
            jax.ShapeDtypeStruct((_B, 1, _N), jnp.float32),
        ],
    )(xn, xnb, sq, score_c, ts)



_NW = 32
_CHUNK = _B * _N // _NW
_NC = 2


def _sc_gather_body(idx_hbm, cl_hbm, nw_hbm, agg_hbm, itn_hbm, awn_hbm,
                    idx_v, cl_v, nw_v, agg_v, oti_v, oaw_v):
    wid = lax.axis_index("s") * _NC + lax.axis_index("c")
    base = wid * _CHUNK
    b = base // _N
    pltpu.sync_copy(cl_hbm.at[b], cl_v)
    pltpu.sync_copy(nw_hbm.at[b], nw_v)
    pltpu.sync_copy(idx_hbm.at[pl.ds(base, _CHUNK)], idx_v)
    pltpu.sync_copy(agg_hbm.at[pl.ds(base, _CHUNK)], agg_v)
    for j in range(_CHUNK // 16):
        sl = pl.ds(j * 16, 16)
        ii = idx_v[sl]
        oti_v[sl] = plsc.load_gather(cl_v, [ii])
        oaw_v[sl] = plsc.load_gather(nw_v, [ii]) * agg_v[sl]
    pltpu.sync_copy(oti_v, itn_hbm.at[pl.ds(base, _CHUNK)])
    pltpu.sync_copy(oaw_v, awn_hbm.at[pl.ds(base, _CHUNK)])


def _sc_gather(idx_flat, cl2d, nw2d, agg_flat):
    mesh = plsc.VectorSubcoreMesh(core_axis_name="c", subcore_axis_name="s")
    k = pl.kernel(
        _sc_gather_body,
        mesh=mesh,
        out_type=[
            jax.ShapeDtypeStruct((_B * _N,), jnp.int32),
            jax.ShapeDtypeStruct((_B * _N,), jnp.float32),
        ],
        scratch_types=[
            pltpu.VMEM((_CHUNK,), jnp.int32),
            pltpu.VMEM((_N,), jnp.int32),
            pltpu.VMEM((_N,), jnp.float32),
            pltpu.VMEM((_CHUNK,), jnp.float32),
            pltpu.VMEM((_CHUNK,), jnp.int32),
            pltpu.VMEM((_CHUNK,), jnp.float32),
        ],
        compiler_params=pltpu.CompilerParams(needs_layout_passes=False),
    )
    return k(idx_flat, cl2d, nw2d, agg_flat)



def kernel(x, idx_token, agg_weight, W_conv, ln_gamma, ln_beta,
           W_score, b_score):
    xt = jnp.transpose(x, (0, 2, 1))
    conv = lax.conv_general_dilated(xt, W_conv, (1,), ((1, 1),),
                                    dimension_numbers=("NCH", "OIH", "NCH"))
    xr = x + jnp.transpose(conv, (0, 2, 1))
    mu = jnp.mean(xr, -1, keepdims=True)
    var = jnp.var(xr, -1, keepdims=True)
    xn = (xr - mu) / jnp.sqrt(var + 1e-5) * ln_gamma + ln_beta
    token_score = xn @ W_score.T + b_score
    sq = jnp.sum(xn * xn, -1).reshape(_B, 1, _N)
    xnb = xn.astype(jnp.bfloat16)
    ts_row = token_score.reshape(_B, 1, _N)

    noise = (jax.random.uniform(jax.random.key(42), (_B, _N),
                                dtype=jnp.float32) * 1e-6).reshape(_B, 1, _N)
    den, dmax = _pass1(xnb, sq, noise)
    score_c = _pass2(xnb, sq, den, dmax)
    xm, cl, nw = _finalize(xn, xnb, sq, score_c, ts_row)

    itn, awn = _sc_gather(idx_token.reshape(-1),
                          cl.reshape(_B, _N),
                          nw.reshape(_B, _N),
                          agg_weight.reshape(-1))

    x_merged = xm
    idx_token_new = itn.reshape(_B, _N)
    agg_weight_new = awn.reshape(_B, _N, 1)
    return x_merged, idx_token_new, agg_weight_new, token_score

# --- scband reference (transcript-rebuilt; emitter-appended) ---
"""Pipeline reference for scband-combiner-75359496175816 (READ-ONLY COPY).

The authoritative reference and input builder live on the scoring server;
editing this copy changes nothing except your own understanding.
"""

import jax, jax.numpy as jnp
import numpy as np

B, N, C = 8, 2048, 128
K_NN = 5
CLUSTER_NUM = 2

def setup_inputs(seed: int = 0):
    key = jax.random.key(seed)
    ks = jax.random.split(key, 6)
    x = jax.random.normal(ks[0], (B, N, C), dtype=jnp.float32)
    idx_token = jax.random.randint(ks[1], (B, N), 0, N, dtype=jnp.int32)
    agg_weight = jnp.ones((B, N, 1), dtype=jnp.float32)
    W_conv = jax.random.normal(ks[2], (C, C, 3), dtype=jnp.float32) * 0.05
    ln_gamma = jnp.ones((C,), dtype=jnp.float32)
    ln_beta = jnp.zeros((C,), dtype=jnp.float32)
    W_score = jax.random.normal(ks[3], (1, C), dtype=jnp.float32) * 0.05
    b_score = jnp.zeros((1,), dtype=jnp.float32)
    return {"x": x, "idx_token": idx_token, "agg_weight": agg_weight, "W_conv": W_conv, "ln_gamma": ln_gamma, "ln_beta": ln_beta, "W_score": W_score, "b_score": b_score}

def _forward(x, agg_weight, W_conv, ln_gamma, ln_beta, W_score, b_score, idx_token):
    # TokenConv: residual conv1d(kernel=3, pad=1)
    xt = jnp.transpose(x, (0, 2, 1))
    conv = jax.lax.conv_general_dilated(xt, W_conv, (1,), ((1, 1),), dimension_numbers=("NCH", "OIH", "NCH"))
    x = x + jnp.transpose(conv, (0, 2, 1))
    # LayerNorm
    mu = jnp.mean(x, -1, keepdims=True)
    var = jnp.var(x, -1, keepdims=True)
    x = (x - mu) / jnp.sqrt(var + 1e-5) * ln_gamma + ln_beta
    token_score = x @ W_score.T + b_score
    token_weight = jnp.exp(token_score[..., 0])[..., None]
    # cluster_dpc_knn (torch.no_grad -> stop_gradient)
    xs = jax.lax.stop_gradient(x)
    sq = jnp.sum(xs * xs, -1)
    d2 = sq[:, :, None] + sq[:, None, :] - 2.0 * jnp.einsum("bnc,bmc->bnm", xs, xs)
    dist = jnp.sqrt(jnp.maximum(d2, 0.0)) / (C ** 0.5)
    negv, _ = jax.lax.top_k(-dist, K_NN)
    dist_nearest = -negv
    density = jnp.exp(-jnp.mean(dist_nearest ** 2, -1))
    density = density + jax.random.uniform(jax.random.key(42), density.shape, dtype=density.dtype) * 1e-6
    maskm = (density[:, None, :] > density[:, :, None]).astype(x.dtype)
    dist_max = jnp.max(dist.reshape(B, -1), -1)[:, None, None]
    dmin = jnp.min(dist * maskm + dist_max * (1.0 - maskm), -1)
    score_c = dmin * density
    _, index_down = jax.lax.top_k(score_c, CLUSTER_NUM)
    dsel = jnp.take_along_axis(dist, index_down[:, :, None], axis=1)
    idx_cluster = jnp.argmin(dsel, axis=1).astype(jnp.int32)
    bidx = jnp.arange(B)[:, None]
    idx_cluster = idx_cluster.at[jnp.broadcast_to(bidx, (B, CLUSTER_NUM)), index_down].set(jnp.broadcast_to(jnp.arange(CLUSTER_NUM, dtype=jnp.int32)[None, :], (B, CLUSTER_NUM)))
    # merge_tokens: segment reduce via scatter-add
    idx = idx_cluster + bidx * CLUSTER_NUM
    flat_idx = idx.reshape(-1)
    all_weight = jnp.zeros((B * CLUSTER_NUM, 1), x.dtype).at[flat_idx].add(token_weight.reshape(-1, 1)) + 1e-6
    norm_weight = token_weight / all_weight[idx]
    source = (x * norm_weight).reshape(B * N, C)
    x_merged = jnp.zeros((B * CLUSTER_NUM, C), x.dtype).at[flat_idx].add(source).reshape(B, CLUSTER_NUM, C)
    it = idx_token.astype(jnp.int32)
    idx_token_new = jnp.take_along_axis(idx_cluster[:, :, None], it[:, :, None], axis=1)[..., 0]
    weight_t = jnp.take_along_axis(norm_weight, it[:, :, None], axis=1)
    agg_weight_new = agg_weight * weight_t
    return x_merged, idx_token_new, agg_weight_new, token_score

def reference(x, idx_token, agg_weight, W_conv, ln_gamma, ln_beta, W_score, b_score):
    return _forward(x, agg_weight, W_conv, ln_gamma, ln_beta, W_score, b_score, idx_token)

if __name__ == "__main__":
    import jax
    _d = setup_inputs()
    print(jax.jit(kernel)(*tuple(_d.values())))

</pallas_src>

<mosaic_0001>
#map = affine_map<(d0, d1) -> (0)>
#map1 = affine_map<(d0, d1) -> (0, 0)>
module attributes {stable_mosaic.version = 14 : i64} {
  func.func @_sc_gather_body(%arg0: i32, %arg1: i32, %arg2: memref<16384xi32, #tpu.memory_space<hbm>>, %arg3: memref<8x2048xi32, #tpu.memory_space<hbm>>, %arg4: memref<8x2048xf32, #tpu.memory_space<hbm>>, %arg5: memref<16384xf32, #tpu.memory_space<hbm>>, %arg6: memref<16384xi32, #tpu.memory_space<hbm>>, %arg7: memref<16384xf32, #tpu.memory_space<hbm>>, %arg8: memref<512xi32, #tpu.memory_space<vmem>>, %arg9: memref<2048xi32, #tpu.memory_space<vmem>>, %arg10: memref<2048xf32, #tpu.memory_space<vmem>>, %arg11: memref<512xf32, #tpu.memory_space<vmem>>, %arg12: memref<512xi32, #tpu.memory_space<vmem>>, %arg13: memref<512xf32, #tpu.memory_space<vmem>>) attributes {dimension_semantics = [#tpu.dimension_semantics<core_parallel>, #tpu.dimension_semantics<subcore_parallel>], iteration_bounds = array<i64: 2, 16>, scalar_prefetch = 0 : i64, scratch_operands = 6 : i64, tpu.core_type = #tpu.core_type<sc_vector_subcore>, window_params = [{transform_indices = #map}, {transform_indices = #map1}, {transform_indices = #map1}, {transform_indices = #map}, {transform_indices = #map}, {transform_indices = #map}]} {
    %mul3A = arith.constant 2 : i32
    %mul3A_0 = arith.muli %arg1, %mul3A : i32
    %add3A = arith.addi %mul3A_0, %arg0 : i32
    %mul3A_1 = arith.constant 512 : i32
    %mul3A_2 = arith.muli %add3A, %mul3A_1 : i32
    %jit3A = arith.constant 2048 : i32
    %div3A = arith.divsi %mul3A_2, %jit3A : i32
    %sign3A = arith.constant 0 : i32
    %sign3A_3 = arith.cmpi sgt, %mul3A_2, %sign3A : i32
    %sign3A_4 = arith.extui %sign3A_3 : i1 to i32
    %sign3A_5 = arith.constant 0 : i32
    %sign3A_6 = arith.cmpi slt, %mul3A_2, %sign3A_5 : i32
    %sign3A_7 = arith.extui %sign3A_6 : i1 to i32
    %sign3A_8 = arith.subi %sign3A_4, %sign3A_7 : i32
    %sign3A_9 = arith.constant 0 : i32
    %sign3A_10 = arith.cmpi sgt, %jit3A, %sign3A_9 : i32
    %sign3A_11 = arith.extui %sign3A_10 : i1 to i32
    %sign3A_12 = arith.constant 0 : i32
    %sign3A_13 = arith.cmpi slt, %jit3A, %sign3A_12 : i32
    %sign3A_14 = arith.extui %sign3A_13 : i1 to i32
    %sign3A_15 = arith.subi %sign3A_11, %sign3A_14 : i32
    %ne3A = arith.cmpi ne, %sign3A_8, %sign3A_15 : i32
    %rem3A = arith.remsi %mul3A_2, %jit3A : i32
    %ne3A_16 = arith.constant 0 : i32
    %ne3A_17 = arith.cmpi ne, %rem3A, %ne3A_16 : i32
    %and3A = arith.andi %ne3A, %ne3A_17 : i1
    %sub3A = arith.constant 1 : i32
    %sub3A_18 = arith.subi %div3A, %sub3A : i32
    %select_n3A = arith.select %and3A, %sub3A_18, %div3A : i32
    "tpu.region"() ({
      %run_scoped3A = tpu.sem_alloc : memref<!tpu.dma_semaphore, #tpu.memory_space<semaphore_mem>>
      %dma_start3A = arith.constant 0 : i32
      %dma_start3A_368 = tpu.memref_slice %arg3[%select_n3A, %dma_start3A] : memref<8x2048xi32, #tpu.memory_space<hbm>> -> memref<1x2048xi32, #tpu.memory_space<hbm>>
      %dma_start3A_369 = tpu.memref_squeeze %dma_start3A_368 : memref<1x2048xi32, #tpu.memory_space<hbm>> -> memref<2048xi32, #tpu.memory_space<hbm>>
      %dma_start3A_370 = arith.constant 0 : i32
      %dma_start3A_371 = tpu.memref_slice %arg3[%select_n3A, %dma_start3A_370] : memref<8x2048xi32, #tpu.memory_space<hbm>> -> memref<1x2048xi32, #tpu.memory_space<hbm>>
      %dma_start3A_372 = tpu.memref_squeeze %dma_start3A_371 : memref<1x2048xi32, #tpu.memory_space<hbm>> -> memref<2048xi32, #tpu.memory_space<hbm>>
      tpu.enqueue_dma source(%dma_start3A_372 : memref<2048xi32, #tpu.memory_space<hbm>>) target(%arg9 : memref<2048xi32, #tpu.memory_space<vmem>>) target_semaphore(%run_scoped3A : memref<!tpu.dma_semaphore, #tpu.memory_space<semaphore_mem>>)
      %dma_wait3A = arith.constant 0 : i32
      %dma_wait3A_373 = tpu.memref_slice %arg3[%select_n3A, %dma_wait3A] : memref<8x2048xi32, #tpu.memory_space<hbm>> -> memref<1x2048xi32, #tpu.memory_space<hbm>>
      %dma_wait3A_374 = tpu.memref_squeeze %dma_wait3A_373 : memref<1x2048xi32, #tpu.memory_space<hbm>> -> memref<2048xi32, #tpu.memory_space<hbm>>
      %dma_wait3A_375 = arith.constant 0 : i32
      %dma_wait3A_376 = tpu.memref_slice %arg3[%select_n3A, %dma_wait3A_375] : memref<8x2048xi32, #tpu.memory_space<hbm>> -> memref<1x2048xi32, #tpu.memory_space<hbm>>
      %dma_wait3A_377 = tpu.memref_squeeze %dma_wait3A_376 : memref<1x2048xi32, #tpu.memory_space<hbm>> -> memref<2048xi32, #tpu.memory_space<hbm>>
      tpu.wait_dma2 semaphore(%run_scoped3A : memref<!tpu.dma_semaphore, #tpu.memory_space<semaphore_mem>>) src(%dma_wait3A_377 : memref<2048xi32, #tpu.memory_space<hbm>>) dst(%arg9 : memref<2048xi32, #tpu.memory_space<vmem>>)
      tpu.yield
    }) : () -> ()
    "tpu.region"() ({
      %run_scoped3A = tpu.sem_alloc : memref<!tpu.dma_semaphore, #tpu.memory_space<semaphore_mem>>
      %dma_start3A = arith.constant 0 : i32
      %dma_start3A_368 = tpu.memref_slice %arg4[%select_n3A, %dma_start3A] : memref<8x2048xf32, #tpu.memory_space<hbm>> -> memref<1x2048xf32, #tpu.memory_space<hbm>>
      %dma_start3A_369 = tpu.memref_squeeze %dma_start3A_368 : memref<1x2048xf32, #tpu.memory_space<hbm>> -> memref<2048xf32, #tpu.memory_space<hbm>>
      %dma_start3A_370 = arith.constant 0 : i32
      %dma_start3A_371 = tpu.memref_slice %arg4[%select_n3A, %dma_start3A_370] : memref<8x2048xf32, #tpu.memory_space<hbm>> -> memref<1x2048xf32, #tpu.memory_space<hbm>>
      %dma_start3A_372 = tpu.memref_squeeze %dma_start3A_371 : memref<1x2048xf32, #tpu.memory_space<hbm>> -> memref<2048xf32, #tpu.memory_space<hbm>>
      tpu.enqueue_dma source(%dma_start3A_372 : memref<2048xf32, #tpu.memory_space<hbm>>) target(%arg10 : memref<2048xf32, #tpu.memory_space<vmem>>) target_semaphore(%run_scoped3A : memref<!tpu.dma_semaphore, #tpu.memory_space<semaphore_mem>>)
      %dma_wait3A = arith.constant 0 : i32
      %dma_wait3A_373 = tpu.memref_slice %arg4[%select_n3A, %dma_wait3A] : memref<8x2048xf32, #tpu.memory_space<hbm>> -> memref<1x2048xf32, #tpu.memory_space<hbm>>
      %dma_wait3A_374 = tpu.memref_squeeze %dma_wait3A_373 : memref<1x2048xf32, #tpu.memory_space<hbm>> -> memref<2048xf32, #tpu.memory_space<hbm>>
      %dma_wait3A_375 = arith.constant 0 : i32
      %dma_wait3A_376 = tpu.memref_slice %arg4[%select_n3A, %dma_wait3A_375] : memref<8x2048xf32, #tpu.memory_space<hbm>> -> memref<1x2048xf32, #tpu.memory_space<hbm>>
      %dma_wait3A_377 = tpu.memref_squeeze %dma_wait3A_376 : memref<1x2048xf32, #tpu.memory_space<hbm>> -> memref<2048xf32, #tpu.memory_space<hbm>>
      tpu.wait_dma2 semaphore(%run_scoped3A : memref<!tpu.dma_semaphore, #tpu.memory_space<semaphore_mem>>) src(%dma_wait3A_377 : memref<2048xf32, #tpu.memory_space<hbm>>) dst(%arg10 : memref<2048xf32, #tpu.memory_space<vmem>>)
      tpu.yield
    }) : () -> ()
    "tpu.region"() ({
      %run_scoped3A = tpu.sem_alloc : memref<!tpu.dma_semaphore, #tpu.memory_space<semaphore_mem>>
      %dma_start3A = tpu.memref_slice %arg2[%mul3A_2] : memref<16384xi32, #tpu.memory_space<hbm>> -> memref<512xi32, #tpu.memory_space<hbm>>
      %dma_start3A_368 = tpu.memref_slice %arg2[%mul3A_2] : memref<16384xi32, #tpu.memory_space<hbm>> -> memref<512xi32, #tpu.memory_space<hbm>>
      tpu.enqueue_dma source(%dma_start3A_368 : memref<512xi32, #tpu.memory_space<hbm>>) target(%arg8 : memref<512xi32, #tpu.memory_space<vmem>>) target_semaphore(%run_scoped3A : memref<!tpu.dma_semaphore, #tpu.memory_space<semaphore_mem>>)
      %dma_wait3A = tpu.memref_slice %arg2[%mul3A_2] : memref<16384xi32, #tpu.memory_space<hbm>> -> memref<512xi32, #tpu.memory_space<hbm>>
      %dma_wait3A_369 = tpu.memref_slice %arg2[%mul3A_2] : memref<16384xi32, #tpu.memory_space<hbm>> -> memref<512xi32, #tpu.memory_space<hbm>>
      tpu.wait_dma2 semaphore(%run_scoped3A : memref<!tpu.dma_semaphore, #tpu.memory_space<semaphore_mem>>) src(%dma_wait3A_369 : memref<512xi32, #tpu.memory_space<hbm>>) dst(%arg8 : memref<512xi32, #tpu.memory_space<vmem>>)
      tpu.yield
    }) : () -> ()
    "tpu.region"() ({
      %run_scoped3A = tpu.sem_alloc : memref<!tpu.dma_semaphore, #tpu.memory_space<semaphore_mem>>
      %dma_start3A = tpu.memref_slice %arg5[%mul3A_2] : memref<16384xf32, #tpu.memory_space<hbm>> -> memref<512xf32, #tpu.memory_space<hbm>>
      %dma_start3A_368 = tpu.memref_slice %arg5[%mul3A_2] : memref<16384xf32, #tpu.memory_space<hbm>> -> memref<512xf32, #tpu.memory_space<hbm>>
      tpu.enqueue_dma source(%dma_start3A_368 : memref<512xf32, #tpu.memory_space<hbm>>) target(%arg11 : memref<512xf32, #tpu.memory_space<vmem>>) target_semaphore(%run_scoped3A : memref<!tpu.dma_semaphore, #tpu.memory_space<semaphore_mem>>)
      %dma_wait3A = tpu.memref_slice %arg5[%mul3A_2] : memref<16384xf32, #tpu.memory_space<hbm>> -> memref<512xf32, #tpu.memory_space<hbm>>
      %dma_wait3A_369 = tpu.memref_slice %arg5[%mul3A_2] : memref<16384xf32, #tpu.memory_space<hbm>> -> memref<512xf32, #tpu.memory_space<hbm>>
      tpu.wait_dma2 semaphore(%run_scoped3A : memref<!tpu.dma_semaphore, #tpu.memory_space<semaphore_mem>>) src(%dma_wait3A_369 : memref<512xf32, #tpu.memory_space<hbm>>) dst(%arg11 : memref<512xf32, #tpu.memory_space<vmem>>)
      tpu.yield
    }) : () -> ()
    %get3A = arith.constant 0 : index
    %get3A_19 = tpu.vector_load %arg8[%get3A] {strides = array<i32>} : memref<512xi32, #tpu.memory_space<vmem>>, vector<16xi32>,
    %gather3A = tpu.vector_load_idx %arg9[%get3A_19] : memref<2048xi32, #tpu.memory_space<vmem>>[vector<16xi32>], vector<16xi32>,
    %swap3A = arith.constant 0 : index
    %swap3A_20 = tpu.vector_load %arg12[%swap3A] {strides = array<i32>} : memref<512xi32, #tpu.memory_space<vmem>>, vector<16xi32>,
    tpu.vector_store %arg12[%swap3A], %gather3A {strides = array<i32>} : memref<512xi32, #tpu.memory_space<vmem>>, vector<16xi32>,
    %gather3A_21 = tpu.vector_load_idx %arg10[%get3A_19] : memref<2048xf32, #tpu.memory_space<vmem>>[vector<16xi32>], vector<16xf32>,
    %get3A_22 = arith.constant 0 : index
    %get3A_23 = tpu.vector_load %arg11[%get3A_22] {strides = array<i32>} : memref<512xf32, #tpu.memory_space<vmem>>, vector<16xf32>,
    %mul3A_24 = arith.mulf %gather3A_21, %get3A_23 : vector<16xf32>
    %swap3A_25 = arith.constant 0 : index
    %swap3A_26 = tpu.vector_load %arg13[%swap3A_25] {strides = array<i32>} : memref<512xf32, #tpu.memory_space<vmem>>, vector<16xf32>,
    tpu.vector_store %arg13[%swap3A_25], %mul3A_24 {strides = array<i32>} : memref<512xf32, #tpu.memory_space<vmem>>, vector<16xf32>,
    %get3A_27 = arith.constant 16 : index
    %get3A_28 = tpu.vector_load %arg8[%get3A_27] {strides = array<i32>} : memref<512xi32, #tpu.memory_space<vmem>>, vector<16xi32>,
    %gather3A_29 = tpu.vector_load_idx %arg9[%get3A_28] : memref<2048xi32, #tpu.memory_space<vmem>>[vector<16xi32>], vector<16xi32>,
    %swap3A_30 = arith.constant 16 : index
    %swap3A_31 = tpu.vector_load %arg12[%swap3A_30] {strides = array<i32>} : memref<512xi32, #tpu.memory_space<vmem>>, vector<16xi32>,
    tpu.vector_store %arg12[%swap3A_30], %gather3A_29 {strides = array<i32>} : memref<512xi32, #tpu.memory_space<vmem>>, vector<16xi32>,
    %gather3A_32 = tpu.vector_load_idx %arg10[%get3A_28] : memref<2048xf32, #tpu.memory_space<vmem>>[vector<16xi32>], vector<16xf32>,
    %get3A_33 = arith.constant 16 : index
    %get3A_34 = tpu.vector_load %arg11[%get3A_33] {strides = array<i32>} : memref<512xf32, #tpu.memory_space<vmem>>, vector<16xf32>,
    %mul3A_35 = arith.mulf %gather3A_32, %get3A_34 : vector<16xf32>
    %swap3A_36 = arith.constant 16 : index
    %swap3A_37 = tpu.vector_load %arg13[%swap3A_36] {strides = array<i32>} : memref<512xf32, #tpu.memory_space<vmem>>, vector<16xf32>,
    tpu.vector_store %arg13[%swap3A_36], %mul3A_35 {strides = array<i32>} : memref<512xf32, #tpu.memory_space<vmem>>, vector<16xf32>,
    %get3A_38 = arith.constant 32 : index
    %get3A_39 = tpu.vector_load %arg8[%get3A_38] {strides = array<i32>} : memref<512xi32, #tpu.memory_space<vmem>>, vector<16xi32>,
    %gather3A_40 = tpu.vector_load_idx %arg9[%get3A_39] : memref<2048xi32, #tpu.memory_space<vmem>>[vector<16xi32>], vector<16xi32>,
    %swap3A_41 = arith.constant 32 : index
    %swap3A_42 = tpu.vector_load %arg12[%swap3A_41] {strides = array<i32>} : memref<512xi32, #tpu.memory_space<vmem>>, vector<16xi32>,
    tpu.vector_store %arg12[%swap3A_41], %gather3A_40 {strides = array<i32>} : memref<512xi32, #tpu.memory_space<vmem>>, vector<16xi32>,
    %gather3A_43 = tpu.vector_load_idx %arg10[%get3A_39] : memref<2048xf32, #tpu.memory_space<vmem>>[vector<16xi32>], vector<16xf32>,
    %get3A_44 = arith.constant 32 : index
    %get3A_45 = tpu.vector_load %arg11[%get3A_44] {strides = array<i32>} : memref<512xf32, #tpu.memory_space<vmem>>, vector<16xf32>,
    %mul3A_46 = arith.mulf %gather3A_43, %get3A_45 : vector<16xf32>
    %swap3A_47 = arith.constant 32 : index
    %swap3A_48 = tpu.vector_load %arg13[%swap3A_47] {strides = array<i32>} : memref<512xf32, #tpu.memory_space<vmem>>, vector<16xf32>,
    tpu.vector_store %arg13[%swap3A_47], %mul3A_46 {strides = array<i32>} : memref<512xf32, #tpu.memory_space<vmem>>, vector<16xf32>,
    %get3A_49 = arith.constant 48 : index
    %get3A_50 = tpu.vector_load %arg8[%get3A_49] {strides = array<i32>} : memref<512xi32, #tpu.memory_space<vmem>>, vector<16xi32>,
    %gather3A_51 = tpu.vector_load_idx %arg9[%get3A_50] : memref<2048xi32, #tpu.memory_space<vmem>>[vector<16xi32>], vector<16xi32>,
    %swap3A_52 = arith.constant 48 : index
    %swap3A_53 = tpu.vector_load %arg12[%swap3A_52] {strides = array<i32>} : memref<512xi32, #tpu.memory_space<vmem>>, vector<16xi32>,
    tpu.vector_store %arg12[%swap3A_52], %gather3A_51 {strides = array<i32>} : memref<512xi32, #tpu.memory_space<vmem>>, vector<16xi32>,
    %gather3A_54 = tpu.vector_load_idx %arg10[%get3A_50] : memref<2048xf32, #tpu.memory_space<vmem>>[vector<16xi32>], vector<16xf32>,
    %get3A_55 = arith.constant 48 : index
    %get3A_56 = tpu.vector_load %arg11[%get3A_55] {strides = array<i32>} : memref<512xf32, #tpu.memory_space<vmem>>, vector<16xf32>,
    %mul3A_57 = arith.mulf %gather3A_54, %get3A_56 : vector<16xf32>
    %swap3A_58 = arith.constant 48 : index
    %swap3A_59 = tpu.vector_load %arg13[%swap3A_58] {strides = array<i32>} : memref<512xf32, #tpu.memory_space<vmem>>, vector<16xf32>,
    tpu.vector_store %arg13[%swap3A_58], %mul3A_57 {strides = array<i32>} : memref<512xf32, #tpu.memory_space<vmem>>, vector<16xf32>,
    %get3A_60 = arith.constant 64 : index
    %get3A_61 = tpu.vector_load %arg8[%get3A_60] {strides = array<i32>} : memref<512xi32, #tpu.memory_space<vmem>>, vector<16xi32>,
    %gather3A_62 = tpu.vector_load_idx %arg9[%get3A_61] : memref<2048xi32, #tpu.memory_space<vmem>>[vector<16xi32>], vector<16xi32>,
    %swap3A_63 = arith.constant 64 : index
    %swap3A_64 = tpu.vector_load %arg12[%swap3A_63] {strides = array<i32>} : memref<512xi32, #tpu.memory_space<vmem>>, vector<16xi32>,
    tpu.vector_store %arg12[%swap3A_63], %gather3A_62 {strides = array<i32>} : memref<512xi32, #tpu.memory_space<vmem>>, vector<16xi32>,
    %gather3A_65 = tpu.vector_load_idx %arg10[%get3A_61] : memref<2048xf32, #tpu.memory_space<vmem>>[vector<16xi32>], vector<16xf32>,
    %get3A_66 = arith.constant 64 : index
    %get3A_67 = tpu.vector_load %arg11[%get3A_66] {strides = array<i32>} : memref<512xf32, #tpu.memory_space<vmem>>, vector<16xf32>,
    %mul3A_68 = arith.mulf %gather3A_65, %get3A_67 : vector<16xf32>
    %swap3A_69 = arith.constant 64 : index
    %swap3A_70 = tpu.vector_load %arg13[%swap3A_69] {strides = array<i32>} : memref<512xf32, #tpu.memory_space<vmem>>, vector<16xf32>,
    tpu.vector_store %arg13[%swap3A_69], %mul3A_68 {strides = array<i32>} : memref<512xf32, #tpu.memory_space<vmem>>, vector<16xf32>,
    %get3A_71 = arith.constant 80 : index
    %get3A_72 = tpu.vector_load %arg8[%get3A_71] {strides = array<i32>} : memref<512xi32, #tpu.memory_space<vmem>>, vector<16xi32>,
    %gather3A_73 = tpu.vector_load_idx %arg9[%get3A_72] : memref<2048xi32, #tpu.memory_space<vmem>>[vector<16xi32>], vector<16xi32>,
    %swap3A_74 = arith.constant 80 : index
    %swap3A_75 = tpu.vector_load %arg12[%swap3A_74] {strides = array<i32>} : memref<512xi32, #tpu.memory_space<vmem>>, vector<16xi32>,
    tpu.vector_store %arg12[%swap3A_74], %gather3A_73 {strides = array<i32>} : memref<512xi32, #tpu.memory_space<vmem>>, vector<16xi32>,
    %gather3A_76 = tpu.vector_load_idx %arg10[%get3A_72] : memref<2048xf32, #tpu.memory_space<vmem>>[vector<16xi32>], vector<16xf32>,
    %get3A_77 = arith.constant 80 : index
    %get3A_78 = tpu.vector_load %arg11[%get3A_77] {strides = array<i32>} : memref<512xf32, #tpu.memory_space<vmem>>, vector<16xf32>,
    %mul3A_79 = arith.mulf %gather3A_76, %get3A_78 : vector<16xf32>
    %swap3A_80 = arith.constant 80 : index
    %swap3A_81 = tpu.vector_load %arg13[%swap3A_80] {strides = array<i32>} : memref<512xf32, #tpu.memory_space<vmem>>, vector<16xf32>,
    tpu.vector_store %arg13[%swap3A_80], %mul3A_79 {strides = array<i32>} : memref<512xf32, #tpu.memory_space<vmem>>, vector<16xf32>,
    %get3A_82 = arith.constant 96 : index
    %get3A_83 = tpu.vector_load %arg8[%get3A_82] {strides = array<i32>} : memref<512xi32, #tpu.memory_space<vmem>>, vector<16xi32>,
    %gather3A_84 = tpu.vector_load_idx %arg9[%get3A_83] : memref<2048xi32, #tpu.memory_space<vmem>>[vector<16xi32>], vector<16xi32>,
    %swap3A_85 = arith.constant 96 : index
    %swap3A_86 = tpu.vector_load %arg12[%swap3A_85] {strides = array<i32>} : memref<512xi32, #tpu.memory_space<vmem>>, vector<16xi32>,
    tpu.vector_store %arg12[%swap3A_85], %gather3A_84 {strides = array<i32>} : memref<512xi32, #tpu.memory_space<vmem>>, vector<16xi32>,
    %gather3A_87 = tpu.vector_load_idx %arg10[%get3A_83] : memref<2048xf32, #tpu.memory_space<vmem>>[vector<16xi32>], vector<16xf32>,
    %get3A_88 = arith.constant 96 : index
    %get3A_89 = tpu.vector_load %arg11[%get3A_88] {strides = array<i32>} : memref<512xf32, #tpu.memory_space<vmem>>, vector<16xf32>,
    %mul3A_90 = arith.mulf %gather3A_87, %get3A_89 : vector<16xf32>
    %swap3A_91 = arith.constant 96 : index
    %swap3A_92 = tpu.vector_load %arg13[%swap3A_91] {strides = array<i32>} : memref<512xf32, #tpu.memory_space<vmem>>, vector<16xf32>,
    tpu.vector_store %arg13[%swap3A_91], %mul3A_90 {strides = array<i32>} : memref<512xf32, #tpu.memory_space<vmem>>, vector<16xf32>,
    %get3A_93 = arith.constant 112 : index
    %get3A_94 = tpu.vector_load %arg8[%get3A_93] {strides = array<i32>} : memref<512xi32, #tpu.memory_space<vmem>>, vector<16xi32>,
    %gather3A_95 = tpu.vector_load_idx %arg9[%get3A_94] : memref<2048xi32, #tpu.memory_space<vmem>>[vector<16xi32>], vector<16xi32>,
    %swap3A_96 = arith.constant 112 : index
    %swap3A_97 = tpu.vector_load %arg12[%swap3A_96] {strides = array<i32>} : memref<512xi32, #tpu.memory_space<vmem>>, vector<16xi32>,
    tpu.vector_store %arg12[%swap3A_96], %gather3A_95 {strides = array<i32>} : memref<512xi32, #tpu.memory_space<vmem>>, vector<16xi32>,
    %gather3A_98 = tpu.vector_load_idx %arg10[%get3A_94] : memref<2048xf32, #tpu.memory_space<vmem>>[vector<16xi32>], vector<16xf32>,
    %get3A_99 = arith.constant 112 : index
    %get3A_100 = tpu.vector_load %arg11[%get3A_99] {strides = array<i32>} : memref<512xf32, #tpu.memory_space<vmem>>, vector<16xf32>,
    %mul3A_101 = arith.mulf %gather3A_98, %get3A_100 : vector<16xf32>
    %swap3A_102 = arith.constant 112 : index
    %swap3A_103 = tpu.vector_load %arg13[%swap3A_102] {strides = array<i32>} : memref<512xf32, #tpu.memory_space<vmem>>, vector<16xf32>,
    tpu.vector_store %arg13[%swap3A_102], %mul3A_101 {strides = array<i32>} : memref<512xf32, #tpu.memory_space<vmem>>, vector<16xf32>,
    %get3A_104 = arith.constant 128 : index
    %get3A_105 = tpu.vector_load %arg8[%get3A_104] {strides = array<i32>} : memref<512xi32, #tpu.memory_space<vmem>>, vector<16xi32>,
    %gather3A_106 = tpu.vector_load_idx %arg9[%get3A_105] : memref<2048xi32, #tpu.memory_space<vmem>>[vector<16xi32>], vector<16xi32>,
    %swap3A_107 = arith.constant 128 : index
    %swap3A_108 = tpu.vector_load %arg12[%swap3A_107] {strides = array<i32>} : memref<512xi32, #tpu.memory_space<vmem>>, vector<16xi32>,
    tpu.vector_store %arg12[%swap3A_107], %gather3A_106 {strides = array<i32>} : memref<512xi32, #tpu.memory_space<vmem>>, vector<16xi32>,
    %gather3A_109 = tpu.vector_load_idx %arg10[%get3A_105] : memref<2048xf32, #tpu.memory_space<vmem>>[vector<16xi32>], vector<16xf32>,
    %get3A_110 = arith.constant 128 : index
    %get3A_111 = tpu.vector_load %arg11[%get3A_110] {strides = array<i32>} : memref<512xf32, #tpu.memory_space<vmem>>, vector<16xf32>,
    %mul3A_112 = arith.mulf %gather3A_109, %get3A_111 : vector<16xf32>
    %swap3A_113 = arith.constant 128 : index
    %swap3A_114 = tpu.vector_load %arg13[%swap3A_113] {strides = array<i32>} : memref<512xf32, #tpu.memory_space<vmem>>, vector<16xf32>,
    tpu.vector_store %arg13[%swap3A_113], %mul3A_112 {strides = array<i32>} : memref<512xf32, #tpu.memory_space<vmem>>, vector<16xf32>,
    %get3A_115 = arith.constant 144 : index
    %get3A_116 = tpu.vector_load %arg8[%get3A_115] {strides = array<i32>} : memref<512xi32, #tpu.memory_space<vmem>>, vector<16xi32>,
    %gather3A_117 = tpu.vector_load_idx %arg9[%get3A_116] : memref<2048xi32, #tpu.memory_space<vmem>>[vector<16xi32>], vector<16xi32>,
    %swap3A_118 = arith.constant 144 : index
    %swap3A_119 = tpu.vector_load %arg12[%swap3A_118] {strides = array<i32>} : memref<512xi32, #tpu.memory_space<vmem>>, vector<16xi32>,
    tpu.vector_store %arg12[%swap3A_118], %gather3A_117 {strides = array<i32>} : memref<512xi32, #tpu.memory_space<vmem>>, vector<16xi32>,
    %gather3A_120 = tpu.vector_load_idx %arg10[%get3A_116] : memref<2048xf32, #tpu.memory_space<vmem>>[vector<16xi32>], vector<16xf32>,
    %get3A_121 = arith.constant 144 : index
    %get3A_122 = tpu.vector_load %arg11[%get3A_121] {strides = array<i32>} : memref<512xf32, #tpu.memory_space<vmem>>, vector<16xf32>,
    %mul3A_123 = arith.mulf %gather3A_120, %get3A_122 : vector<16xf32>
    %swap3A_124 = arith.constant 144 : index
    %swap3A_125 = tpu.vector_load %arg13[%swap3A_124] {strides = array<i32>} : memref<512xf32, #tpu.memory_space<vmem>>, vector<16xf32>,
    tpu.vector_store %arg13[%swap3A_124], %mul3A_123 {strides = array<i32>} : memref<512xf32, #tpu.memory_space<vmem>>, vector<16xf32>,
    %get3A_126 = arith.constant 160 : index
    %get3A_127 = tpu.vector_load %arg8[%get3A_126] {strides = array<i32>} : memref<512xi32, #tpu.memory_space<vmem>>, vector<16xi32>,
    %gather3A_128 = tpu.vector_load_idx %arg9[%get3A_127] : memref<2048xi32, #tpu.memory_space<vmem>>[vector<16xi32>], vector<16xi32>,
    %swap3A_129 = arith.constant 160 : index
    %swap3A_130 = tpu.vector_load %arg12[%swap3A_129] {strides = array<i32>} : memref<512xi32, #tpu.memory_space<vmem>>, vector<16xi32>,
    tpu.vector_store %arg12[%swap3A_129], %gather3A_128 {strides = array<i32>} : memref<512xi32, #tpu.memory_space<vmem>>, vector<16xi32>,
    %gather3A_131 = tpu.vector_load_idx %arg10[%get3A_127] : memref<2048xf32, #tpu.memory_space<vmem>>[vector<16xi32>], vector<16xf32>,
    %get3A_132 = arith.constant 160 : index
    %get3A_133 = tpu.vector_load %arg11[%get3A_132] {strides = array<i32>} : memref<512xf32, #tpu.memory_space<vmem>>, vector<16xf32>,
    %mul3A_134 = arith.mulf %gather3A_131, %get3A_133 : vector<16xf32>
    %swap3A_135 = arith.constant 160 : index
    %swap3A_136 = tpu.vector_load %arg13[%swap3A_135] {strides = array<i32>} : memref<512xf32, #tpu.memory_space<vmem>>, vector<16xf32>,
    tpu.vector_store %arg13[%swap3A_135], %mul3A_134 {strides = array<i32>} : memref<512xf32, #tpu.memory_space<vmem>>, vector<16xf32>,
    %get3A_137 = arith.constant 176 : index
    %get3A_138 = tpu.vector_load %arg8[%get3A_137] {strides = array<i32>} : memref<512xi32, #tpu.memory_space<vmem>>, vector<16xi32>,
    %gather3A_139 = tpu.vector_load_idx %arg9[%get3A_138] : memref<2048xi32, #tpu.memory_space<vmem>>[vector<16xi32>], vector<16xi32>,
    %swap3A_140 = arith.constant 176 : index
    %swap3A_141 = tpu.vector_load %arg12[%swap3A_140] {strides = array<i32>} : memref<512xi32, #tpu.memory_space<vmem>>, vector<16xi32>,
    tpu.vector_store %arg12[%swap3A_140], %gather3A_139 {strides = array<i32>} : memref<512xi32, #tpu.memory_space<vmem>>, vector<16xi32>,
    %gather3A_142 = tpu.vector_load_idx %arg10[%get3A_138] : memref<2048xf32, #tpu.memory_space<vmem>>[vector<16xi32>], vector<16xf32>,
    %get3A_143 = arith.constant 176 : index
    %get3A_144 = tpu.vector_load %arg11[%get3A_143] {strides = array<i32>} : memref<512xf32, #tpu.memory_space<vmem>>, vector<16xf32>,
    %mul3A_145 = arith.mulf %gather3A_142, %get3A_144 : vector<16xf32>
    %swap3A_146 = arith.constant 176 : index
    %swap3A_147 = tpu.vector_load %arg13[%swap3A_146] {strides = array<i32>} : memref<512xf32, #tpu.memory_space<vmem>>, vector<16xf32>,
    tpu.vector_store %arg13[%swap3A_146], %mul3A_145 {strides = array<i32>} : memref<512xf32, #tpu.memory_space<vmem>>, vector<16xf32>,
    %get3A_148 = arith.constant 192 : index
    %get3A_149 = tpu.vector_load %arg8[%get3A_148] {strides = array<i32>} : memref<512xi32, #tpu.memory_space<vmem>>, vector<16xi32>,
    %gather3A_150 = tpu.vector_load_idx %arg9[%get3A_149] : memref<2048xi32, #tpu.memory_space<vmem>>[vector<16xi32>], vector<16xi32>,
    %swap3A_151 = arith.constant 192 : index
    %swap3A_152 = tpu.vector_load %arg12[%swap3A_151] {strides = array<i32>} : memref<512xi32, #tpu.memory_space<vmem>>, vector<16xi32>,
    tpu.vector_store %arg12[%swap3A_151], %gather3A_150 {strides = array<i32>} : memref<512xi32, #tpu.memory_space<vmem>>, vector<16xi32>,
    %gather3A_153 = tpu.vector_load_idx %arg10[%get3A_149] : memref<2048xf32, #tpu.memory_space<vmem>>[vector<16xi32>], vector<16xf32>,
    %get3A_154 = arith.constant 192 : index
    %get3A_155 = tpu.vector_load %arg11[%get3A_154] {strides = array<i32>} : memref<512xf32, #tpu.memory_space<vmem>>, vector<16xf32>,
    %mul3A_156 = arith.mulf %gather3A_153, %get3A_155 : vector<16xf32>
    %swap3A_157 = arith.constant 192 : index
    %swap3A_158 = tpu.vector_load %arg13[%swap3A_157] {strides = array<i32>} : memref<512xf32, #tpu.memory_space<vmem>>, vector<16xf32>,
    tpu.vector_store %arg13[%swap3A_157], %mul3A_156 {strides = array<i32>} : memref<512xf32, #tpu.memory_space<vmem>>, vector<16xf32>,
    %get3A_159 = arith.constant 208 : index
    %get3A_160 = tpu.vector_load %arg8[%get3A_159] {strides = array<i32>} : memref<512xi32, #tpu.memory_space<vmem>>, vector<16xi32>,
    %gather3A_161 = tpu.vector_load_idx %arg9[%get3A_160] : memref<2048xi32, #tpu.memory_space<vmem>>[vector<16xi32>], vector<16xi32>,
    %swap3A_162 = arith.constant 208 : index
    %swap3A_163 = tpu.vector_load %arg12[%swap3A_162] {strides = array<i32>} : memref<512xi32, #tpu.memory_space<vmem>>, vector<16xi32>,
    tpu.vector_store %arg12[%swap3A_162], %gather3A_161 {strides = array<i32>} : memref<512xi32, #tpu.memory_space<vmem>>, vector<16xi32>,
    %gather3A_164 = tpu.vector_load_idx %arg10[%get3A_160] : memref<2048xf32, #tpu.memory_space<vmem>>[vector<16xi32>], vector<16xf32>,
    %get3A_165 = arith.constant 208 : index
    %get3A_166 = tpu.vector_load %arg11[%get3A_165] {strides = array<i32>} : memref<512xf32, #tpu.memory_space<vmem>>, vector<16xf32>,
    %mul3A_167 = arith.mulf %gather3A_164, %get3A_166 : vector<16xf32>
    %swap3A_168 = arith.constant 208 : index
    %swap3A_169 = tpu.vector_load %arg13[%swap3A_168] {strides = array<i32>} : memref<512xf32, #tpu.memory_space<vmem>>, vector<16xf32>,
    tpu.vector_store %arg13[%swap3A_168], %mul3A_167 {strides = array<i32>} : memref<512xf32, #tpu.memory_space<vmem>>, vector<16xf32>,
    %get3A_170 = arith.constant 224 : index
    %get3A_171 = tpu.vector_load %arg8[%get3A_170] {strides = array<i32>} : memref<512xi32, #tpu.memory_space<vmem>>, vector<16xi32>,
    %gather3A_172 = tpu.vector_load_idx %arg9[%get3A_171] : memref<2048xi32, #tpu.memory_space<vmem>>[vector<16xi32>], vector<16xi32>,
    %swap3A_173 = arith.constant 224 : index
    %swap3A_174 = tpu.vector_load %arg12[%swap3A_173] {strides = array<i32>} : memref<512xi32, #tpu.memory_space<vmem>>, vector<16xi32>,
    tpu.vector_store %arg12[%swap3A_173], %gather3A_172 {strides = array<i32>} : memref<512xi32, #tpu.memory_space<vmem>>, vector<16xi32>,
    %gather3A_175 = tpu.vector_load_idx %arg10[%get3A_171] : memref<2048xf32, #tpu.memory_space<vmem>>[vector<16xi32>], vector<16xf32>,
    %get3A_176 = arith.constant 224 : index
    %get3A_177 = tpu.vector_load %arg11[%get3A_176] {strides = array<i32>} : memref<512xf32, #tpu.memory_space<vmem>>, vector<16xf32>,
    %mul3A_178 = arith.mulf %gather3A_175, %get3A_177 : vector<16xf32>
    %swap3A_179 = arith.constant 224 : index
    %swap3A_180 = tpu.vector_load %arg13[%swap3A_179] {strides = array<i32>} : memref<512xf32, #tpu.memory_space<vmem>>, vector<16xf32>,
    tpu.vector_store %arg13[%swap3A_179], %mul3A_178 {strides = array<i32>} : memref<512xf32, #tpu.memory_space<vmem>>, vector<16xf32>,
    %get3A_181 = arith.constant 240 : index
    %get3A_182 = tpu.vector_load %arg8[%get3A_181] {strides = array<i32>} : memref<512xi32, #tpu.memory_space<vmem>>, vector<16xi32>,
    %gather3A_183 = tpu.vector_load_idx %arg9[%get3A_182] : memref<2048xi32, #tpu.memory_space<vmem>>[vector<16xi32>], vector<16xi32>,
    %swap3A_184 = arith.constant 240 : index
    %swap3A_185 = tpu.vector_load %arg12[%swap3A_184] {strides = array<i32>} : memref<512xi32, #tpu.memory_space<vmem>>, vector<16xi32>,
    tpu.vector_store %arg12[%swap3A_184], %gather3A_183 {strides = array<i32>} : memref<512xi32, #tpu.memory_space<vmem>>, vector<16xi32>,
    %gather3A_186 = tpu.vector_load_idx %arg10[%get3A_182] : memref<2048xf32, #tpu.memory_space<vmem>>[vector<16xi32>], vector<16xf32>,
    %get3A_187 = arith.constant 240 : index
    %get3A_188 = tpu.vector_load %arg11[%get3A_187] {strides = array<i32>} : memref<512xf32, #tpu.memory_space<vmem>>, vector<16xf32>,
    %mul3A_189 = arith.mulf %gather3A_186, %get3A_188 : vector<16xf32>
    %swap3A_190 = arith.constant 240 : index
    %swap3A_191 = tpu.vector_load %arg13[%swap3A_190] {strides = array<i32>} : memref<512xf32, #tpu.memory_space<vmem>>, vector<16xf32>,
    tpu.vector_store %arg13[%swap3A_190], %mul3A_189 {strides = array<i32>} : memref<512xf32, #tpu.memory_space<vmem>>, vector<16xf32>,
    %get3A_192 = arith.constant 256 : index
    %get3A_193 = tpu.vector_load %arg8[%get3A_192] {strides = array<i32>} : memref<512xi32, #tpu.memory_space<vmem>>, vector<16xi32>,
    %gather3A_194 = tpu.vector_load_idx %arg9[%get3A_193] : memref<2048xi32, #tpu.memory_space<vmem>>[vector<16xi32>], vector<16xi32>,
    %swap3A_195 = arith.constant 256 : index
    %swap3A_196 = tpu.vector_load %arg12[%swap3A_195] {strides = array<i32>} : memref<512xi32, #tpu.memory_space<vmem>>, vector<16xi32>,
    tpu.vector_store %arg12[%swap3A_195], %gather3A_194 {strides = array<i32>} : memref<512xi32, #tpu.memory_space<vmem>>, vector<16xi32>,
    %gather3A_197 = tpu.vector_load_idx %arg10[%get3A_193] : memref<2048xf32, #tpu.memory_space<vmem>>[vector<16xi32>], vector<16xf32>,
    %get3A_198 = arith.constant 256 : index
    %get3A_199 = tpu.vector_load %arg11[%get3A_198] {strides = array<i32>} : memref<512xf32, #tpu.memory_space<vmem>>, vector<16xf32>,
    %mul3A_200 = arith.mulf %gather3A_197, %get3A_199 : vector<16xf32>
    %swap3A_201 = arith.constant 256 : index
    %swap3A_202 = tpu.vector_load %arg13[%swap3A_201] {strides = array<i32>} : memref<512xf32, #tpu.memory_space<vmem>>, vector<16xf32>,
    tpu.vector_store %arg13[%swap3A_201], %mul3A_200 {strides = array<i32>} : memref<512xf32, #tpu.memory_space<vmem>>, vector<16xf32>,
    %get3A_203 = arith.constant 272 : index
    %get3A_204 = tpu.vector_load %arg8[%get3A_203] {strides = array<i32>} : memref<512xi32, #tpu.memory_space<vmem>>, vector<16xi32>,
    %gather3A_205 = tpu.vector_load_idx %arg9[%get3A_204] : memref<2048xi32, #tpu.memory_space<vmem>>[vector<16xi32>], vector<16xi32>,
    %swap3A_206 = arith.constant 272 : index
    %swap3A_207 = tpu.vector_load %arg12[%swap3A_206] {strides = array<i32>} : memref<512xi32, #tpu.memory_space<vmem>>, vector<16xi32>,
    tpu.vector_store %arg12[%swap3A_206], %gather3A_205 {strides = array<i32>} : memref<512xi32, #tpu.memory_space<vmem>>, vector<16xi32>,
    %gather3A_208 = tpu.vector_load_idx %arg10[%get3A_204] : memref<2048xf32, #tpu.memory_space<vmem>>[vector<16xi32>], vector<16xf32>,
    %get3A_209 = arith.constant 272 : index
    %get3A_210 = tpu.vector_load %arg11[%get3A_209] {strides = array<i32>} : memref<512xf32, #tpu.memory_space<vmem>>, vector<16xf32>,
    %mul3A_211 = arith.mulf %gather3A_208, %get3A_210 : vector<16xf32>
    %swap3A_212 = arith.constant 272 : index
    %swap3A_213 = tpu.vector_load %arg13[%swap3A_212] {strides = array<i32>} : memref<512xf32, #tpu.memory_space<vmem>>, vector<16xf32>,
    tpu.vector_store %arg13[%swap3A_212], %mul3A_211 {strides = array<i32>} : memref<512xf32, #tpu.memory_space<vmem>>, vector<16xf32>,
    %get3A_214 = arith.constant 288 : index
    %get3A_215 = tpu.vector_load %arg8[%get3A_214] {strides = array<i32>} : memref<512xi32, #tpu.memory_space<vmem>>, vector<16xi32>,
    %gather3A_216 = tpu.vector_load_idx %arg9[%get3A_215] : memref<2048xi32, #tpu.memory_space<vmem>>[vector<16xi32>], vector<16xi32>,
    %swap3A_217 = arith.constant 288 : index
    %swap3A_218 = tpu.vector_load %arg12[%swap3A_217] {strides = array<i32>} : memref<512xi32, #tpu.memory_space<vmem>>, vector<16xi32>,
    tpu.vector_store %arg12[%swap3A_217], %gather3A_216 {strides = array<i32>} : memref<512xi32, #tpu.memory_space<vmem>>, vector<16xi32>,
    %gather3A_219 = tpu.vector_load_idx %arg10[%get3A_215] : memref<2048xf32, #tpu.memory_space<vmem>>[vector<16xi32>], vector<16xf32>,
    %get3A_220 = arith.constant 288 : index
    %get3A_221 = tpu.vector_load %arg11[%get3A_220] {strides = array<i32>} : memref<512xf32, #tpu.memory_space<vmem>>, vector<16xf32>,
    %mul3A_222 = arith.mulf %gather3A_219, %get3A_221 : vector<16xf32>
    %swap3A_223 = arith.constant 288 : index
    %swap3A_224 = tpu.vector_load %arg13[%swap3A_223] {strides = array<i32>} : memref<512xf32, #tpu.memory_space<vmem>>, vector<16xf32>,
    tpu.vector_store %arg13[%swap3A_223], %mul3A_222 {strides = array<i32>} : memref<512xf32, #tpu.memory_space<vmem>>, vector<16xf32>,
    %get3A_225 = arith.constant 304 : index
    %get3A_226 = tpu.vector_load %arg8[%get3A_225] {strides = array<i32>} : memref<512xi32, #tpu.memory_space<vmem>>, vector<16xi32>,
    %gather3A_227 = tpu.vector_load_idx %arg9[%get3A_226] : memref<2048xi32, #tpu.memory_space<vmem>>[vector<16xi32>], vector<16xi32>,
    %swap3A_228 = arith.constant 304 : index
    %swap3A_229 = tpu.vector_load %arg12[%swap3A_228] {strides = array<i32>} : memref<512xi32, #tpu.memory_space<vmem>>, vector<16xi32>,
    tpu.vector_store %arg12[%swap3A_228], %gather3A_227 {strides = array<i32>} : memref<512xi32, #tpu.memory_space<vmem>>, vector<16xi32>,
    %gather3A_230 = tpu.vector_load_idx %arg10[%get3A_226] : memref<2048xf32, #tpu.memory_space<vmem>>[vector<16xi32>], vector<16xf32>,
    %get3A_231 = arith.constant 304 : index
    %get3A_232 = tpu.vector_load %arg11[%get3A_231] {strides = array<i32>} : memref<512xf32, #tpu.memory_space<vmem>>, vector<16xf32>,
    %mul3A_233 = arith.mulf %gather3A_230, %get3A_232 : vector<16xf32>
    %swap3A_234 = arith.constant 304 : index
    %swap3A_235 = tpu.vector_load %arg13[%swap3A_234] {strides = array<i32>} : memref<512xf32, #tpu.memory_space<vmem>>, vector<16xf32>,
    tpu.vector_store %arg13[%swap3A_234], %mul3A_233 {strides = array<i32>} : memref<512xf32, #tpu.memory_space<vmem>>, vector<16xf32>,
    %get3A_236 = arith.constant 320 : index
    %get3A_237 = tpu.vector_load %arg8[%get3A_236] {strides = array<i32>} : memref<512xi32, #tpu.memory_space<vmem>>, vector<16xi32>,
    %gather3A_238 = tpu.vector_load_idx %arg9[%get3A_237] : memref<2048xi32, #tpu.memory_space<vmem>>[vector<16xi32>], vector<16xi32>,
    %swap3A_239 = arith.constant 320 : index
    %swap3A_240 = tpu.vector_load %arg12[%swap3A_239] {strides = array<i32>} : memref<512xi32, #tpu.memory_space<vmem>>, vector<16xi32>,
    tpu.vector_store %arg12[%swap3A_239], %gather3A_238 {strides = array<i32>} : memref<512xi32, #tpu.memory_space<vmem>>, vector<16xi32>,
    %gather3A_241 = tpu.vector_load_idx %arg10[%get3A_237] : memref<2048xf32, #tpu.memory_space<vmem>>[vector<16xi32>], vector<16xf32>,
    %get3A_242 = arith.constant 320 : index
    %get3A_243 = tpu.vector_load %arg11[%get3A_242] {strides = array<i32>} : memref<512xf32, #tpu.memory_space<vmem>>, vector<16xf32>,
    %mul3A_244 = arith.mulf %gather3A_241, %get3A_243 : vector<16xf32>
    %swap3A_245 = arith.constant 320 : index
    %swap3A_246 = tpu.vector_load %arg13[%swap3A_245] {strides = array<i32>} : memref<512xf32, #tpu.memory_space<vmem>>, vector<16xf32>,
    tpu.vector_store %arg13[%swap3A_245], %mul3A_244 {strides = array<i32>} : memref<512xf32, #tpu.memory_space<vmem>>, vector<16xf32>,
    %get3A_247 = arith.constant 336 : index
    %get3A_248 = tpu.vector_load %arg8[%get3A_247] {strides = array<i32>} : memref<512xi32, #tpu.memory_space<vmem>>, vector<16xi32>,
    %gather3A_249 = tpu.vector_load_idx %arg9[%get3A_248] : memref<2048xi32, #tpu.memory_space<vmem>>[vector<16xi32>], vector<16xi32>,
    %swap3A_250 = arith.constant 336 : index
    %swap3A_251 = tpu.vector_load %arg12[%swap3A_250] {strides = array<i32>} : memref<512xi32, #tpu.memory_space<vmem>>, vector<16xi32>,
    tpu.vector_store %arg12[%swap3A_250], %gather3A_249 {strides = array<i32>} : memref<512xi32, #tpu.memory_space<vmem>>, vector<16xi32>,
    %gather3A_252 = tpu.vector_load_idx %arg10[%get3A_248] : memref<2048xf32, #tpu.memory_space<vmem>>[vector<16xi32>], vector<16xf32>,
    %get3A_253 = arith.constant 336 : index
    %get3A_254 = tpu.vector_load %arg11[%get3A_253] {strides = array<i32>} : memref<512xf32, #tpu.memory_space<vmem>>, vector<16xf32>,
    %mul3A_255 = arith.mulf %gather3A_252, %get3A_254 : vector<16xf32>
    %swap3A_256 = arith.constant 336 : index
    %swap3A_257 = tpu.vector_load %arg13[%swap3A_256] {strides = array<i32>} : memref<512xf32, #tpu.memory_space<vmem>>, vector<16xf32>,
    tpu.vector_store %arg13[%swap3A_256], %mul3A_255 {strides = array<i32>} : memref<512xf32, #tpu.memory_space<vmem>>, vector<16xf32>,
    %get3A_258 = arith.constant 352 : index
    %get3A_259 = tpu.vector_load %arg8[%get3A_258] {strides = array<i32>} : memref<512xi32, #tpu.memory_space<vmem>>, vector<16xi32>,
    %gather3A_260 = tpu.vector_load_idx %arg9[%get3A_259] : memref<2048xi32, #tpu.memory_space<vmem>>[vector<16xi32>], vector<16xi32>,
    %swap3A_261 = arith.constant 352 : index
    %swap3A_262 = tpu.vector_load %arg12[%swap3A_261] {strides = array<i32>} : memref<512xi32, #tpu.memory_space<vmem>>, vector<16xi32>,
    tpu.vector_store %arg12[%swap3A_261], %gather3A_260 {strides = array<i32>} : memref<512xi32, #tpu.memory_space<vmem>>, vector<16xi32>,
    %gather3A_263 = tpu.vector_load_idx %arg10[%get3A_259] : memref<2048xf32, #tpu.memory_space<vmem>>[vector<16xi32>], vector<16xf32>,
    %get3A_264 = arith.constant 352 : index
    %get3A_265 = tpu.vector_load %arg11[%get3A_264] {strides = array<i32>} : memref<512xf32, #tpu.memory_space<vmem>>, vector<16xf32>,
    %mul3A_266 = arith.mulf %gather3A_263, %get3A_265 : vector<16xf32>
    %swap3A_267 = arith.constant 352 : index
    %swap3A_268 = tpu.vector_load %arg13[%swap3A_267] {strides = array<i32>} : memref<512xf32, #tpu.memory_space<vmem>>, vector<16xf32>,
    tpu.vector_store %arg13[%swap3A_267], %mul3A_266 {strides = array<i32>} : memref<512xf32, #tpu.memory_space<vmem>>, vector<16xf32>,
    %get3A_269 = arith.constant 368 : index
    %get3A_270 = tpu.vector_load %arg8[%get3A_269] {strides = array<i32>} : memref<512xi32, #tpu.memory_space<vmem>>, vector<16xi32>,
    %gather3A_271 = tpu.vector_load_idx %arg9[%get3A_270] : memref<2048xi32, #tpu.memory_space<vmem>>[vector<16xi32>], vector<16xi32>,
    %swap3A_272 = arith.constant 368 : index
    %swap3A_273 = tpu.vector_load %arg12[%swap3A_272] {strides = array<i32>} : memref<512xi32, #tpu.memory_space<vmem>>, vector<16xi32>,
    tpu.vector_store %arg12[%swap3A_272], %gather3A_271 {strides = array<i32>} : memref<512xi32, #tpu.memory_space<vmem>>, vector<16xi32>,
    %gather3A_274 = tpu.vector_load_idx %arg10[%get3A_270] : memref<2048xf32, #tpu.memory_space<vmem>>[vector<16xi32>], vector<16xf32>,
    %get3A_275 = arith.constant 368 : index
    %get3A_276 = tpu.vector_load %arg11[%get3A_275] {strides = array<i32>} : memref<512xf32, #tpu.memory_space<vmem>>, vector<16xf32>,
    %mul3A_277 = arith.mulf %gather3A_274, %get3A_276 : vector<16xf32>
    %swap3A_278 = arith.constant 368 : index
    %swap3A_279 = tpu.vector_load %arg13[%swap3A_278] {strides = array<i32>} : memref<512xf32, #tpu.memory_space<vmem>>, vector<16xf32>,
    tpu.vector_store %arg13[%swap3A_278], %mul3A_277 {strides = array<i32>} : memref<512xf32, #tpu.memory_space<vmem>>, vector<16xf32>,
    %get3A_280 = arith.constant 384 : index
    %get3A_281 = tpu.vector_load %arg8[%get3A_280] {strides = array<i32>} : memref<512xi32, #tpu.memory_space<vmem>>, vector<16xi32>,
    %gather3A_282 = tpu.vector_load_idx %arg9[%get3A_281] : memref<2048xi32, #tpu.memory_space<vmem>>[vector<16xi32>], vector<16xi32>,
    %swap3A_283 = arith.constant 384 : index
    %swap3A_284 = tpu.vector_load %arg12[%swap3A_283] {strides = array<i32>} : memref<512xi32, #tpu.memory_space<vmem>>, vector<16xi32>,
    tpu.vector_store %arg12[%swap3A_283], %gather3A_282 {strides = array<i32>} : memref<512xi32, #tpu.memory_space<vmem>>, vector<16xi32>,
    %gather3A_285 = tpu.vector_load_idx %arg10[%get3A_281] : memref<2048xf32, #tpu.memory_space<vmem>>[vector<16xi32>], vector<16xf32>,
    %get3A_286 = arith.constant 384 : index
    %get3A_287 = tpu.vector_load %arg11[%get3A_286] {strides = array<i32>} : memref<512xf32, #tpu.memory_space<vmem>>, vector<16xf32>,
    %mul3A_288 = arith.mulf %gather3A_285, %get3A_287 : vector<16xf32>
    %swap3A_289 = arith.constant 384 : index
    %swap3A_290 = tpu.vector_load %arg13[%swap3A_289] {strides = array<i32>} : memref<512xf32, #tpu.memory_space<vmem>>, vector<16xf32>,
    tpu.vector_store %arg13[%swap3A_289], %mul3A_288 {strides = array<i32>} : memref<512xf32, #tpu.memory_space<vmem>>, vector<16xf32>,
    %get3A_291 = arith.constant 400 : index
    %get3A_292 = tpu.vector_load %arg8[%get3A_291] {strides = array<i32>} : memref<512xi32, #tpu.memory_space<vmem>>, vector<16xi32>,
    %gather3A_293 = tpu.vector_load_idx %arg9[%get3A_292] : memref<2048xi32, #tpu.memory_space<vmem>>[vector<16xi32>], vector<16xi32>,
    %swap3A_294 = arith.constant 400 : index
    %swap3A_295 = tpu.vector_load %arg12[%swap3A_294] {strides = array<i32>} : memref<512xi32, #tpu.memory_space<vmem>>, vector<16xi32>,
    tpu.vector_store %arg12[%swap3A_294], %gather3A_293 {strides = array<i32>} : memref<512xi32, #tpu.memory_space<vmem>>, vector<16xi32>,
    %gather3A_296 = tpu.vector_load_idx %arg10[%get3A_292] : memref<2048xf32, #tpu.memory_space<vmem>>[vector<16xi32>], vector<16xf32>,
    %get3A_297 = arith.constant 400 : index
    %get3A_298 = tpu.vector_load %arg11[%get3A_297] {strides = array<i32>} : memref<512xf32, #tpu.memory_space<vmem>>, vector<16xf32>,
    %mul3A_299 = arith.mulf %gather3A_296, %get3A_298 : vector<16xf32>
    %swap3A_300 = arith.constant 400 : index
    %swap3A_301 = tpu.vector_load %arg13[%swap3A_300] {strides = array<i32>} : memref<512xf32, #tpu.memory_space<vmem>>, vector<16xf32>,
    tpu.vector_store %arg13[%swap3A_300], %mul3A_299 {strides = array<i32>} : memref<512xf32, #tpu.memory_space<vmem>>, vector<16xf32>,
    %get3A_302 = arith.constant 416 : index
    %get3A_303 = tpu.vector_load %arg8[%get3A_302] {strides = array<i32>} : memref<512xi32, #tpu.memory_space<vmem>>, vector<16xi32>,
    %gather3A_304 = tpu.vector_load_idx %arg9[%get3A_303] : memref<2048xi32, #tpu.memory_space<vmem>>[vector<16xi32>], vector<16xi32>,
    %swap3A_305 = arith.constant 416 : index
    %swap3A_306 = tpu.vector_load %arg12[%swap3A_305] {strides = array<i32>} : memref<512xi32, #tpu.memory_space<vmem>>, vector<16xi32>,
    tpu.vector_store %arg12[%swap3A_305], %gather3A_304 {strides = array<i32>} : memref<512xi32, #tpu.memory_space<vmem>>, vector<16xi32>,
    %gather3A_307 = tpu.vector_load_idx %arg10[%get3A_303] : memref<2048xf32, #tpu.memory_space<vmem>>[vector<16xi32>], vector<16xf32>,
    %get3A_308 = arith.constant 416 : index
    %get3A_309 = tpu.vector_load %arg11[%get3A_308] {strides = array<i32>} : memref<512xf32, #tpu.memory_space<vmem>>, vector<16xf32>,
    %mul3A_310 = arith.mulf %gather3A_307, %get3A_309 : vector<16xf32>
    %swap3A_311 = arith.constant 416 : index
    %swap3A_312 = tpu.vector_load %arg13[%swap3A_311] {strides = array<i32>} : memref<512xf32, #tpu.memory_space<vmem>>, vector<16xf32>,
    tpu.vector_store %arg13[%swap3A_311], %mul3A_310 {strides = array<i32>} : memref<512xf32, #tpu.memory_space<vmem>>, vector<16xf32>,
    %get3A_313 = arith.constant 432 : index
    %get3A_314 = tpu.vector_load %arg8[%get3A_313] {strides = array<i32>} : memref<512xi32, #tpu.memory_space<vmem>>, vector<16xi32>,
    %gather3A_315 = tpu.vector_load_idx %arg9[%get3A_314] : memref<2048xi32, #tpu.memory_space<vmem>>[vector<16xi32>], vector<16xi32>,
    %swap3A_316 = arith.constant 432 : index
    %swap3A_317 = tpu.vector_load %arg12[%swap3A_316] {strides = array<i32>} : memref<512xi32, #tpu.memory_space<vmem>>, vector<16xi32>,
    tpu.vector_store %arg12[%swap3A_316], %gather3A_315 {strides = array<i32>} : memref<512xi32, #tpu.memory_space<vmem>>, vector<16xi32>,
    %gather3A_318 = tpu.vector_load_idx %arg10[%get3A_314] : memref<2048xf32, #tpu.memory_space<vmem>>[vector<16xi32>], vector<16xf32>,
    %get3A_319 = arith.constant 432 : index
    %get3A_320 = tpu.vector_load %arg11[%get3A_319] {strides = array<i32>} : memref<512xf32, #tpu.memory_space<vmem>>, vector<16xf32>,
    %mul3A_321 = arith.mulf %gather3A_318, %get3A_320 : vector<16xf32>
    %swap3A_322 = arith.constant 432 : index
    %swap3A_323 = tpu.vector_load %arg13[%swap3A_322] {strides = array<i32>} : memref<512xf32, #tpu.memory_space<vmem>>, vector<16xf32>,
    tpu.vector_store %arg13[%swap3A_322], %mul3A_321 {strides = array<i32>} : memref<512xf32, #tpu.memory_space<vmem>>, vector<16xf32>,
    %get3A_324 = arith.constant 448 : index
    %get3A_325 = tpu.vector_load %arg8[%get3A_324] {strides = array<i32>} : memref<512xi32, #tpu.memory_space<vmem>>, vector<16xi32>,
    %gather3A_326 = tpu.vector_load_idx %arg9[%get3A_325] : memref<2048xi32, #tpu.memory_space<vmem>>[vector<16xi32>], vector<16xi32>,
    %swap3A_327 = arith.constant 448 : index
    %swap3A_328 = tpu.vector_load %arg12[%swap3A_327] {strides = array<i32>} : memref<512xi32, #tpu.memory_space<vmem>>, vector<16xi32>,
    tpu.vector_store %arg12[%swap3A_327], %gather3A_326 {strides = array<i32>} : memref<512xi32, #tpu.memory_space<vmem>>, vector<16xi32>,
    %gather3A_329 = tpu.vector_load_idx %arg10[%get3A_325] : memref<2048xf32, #tpu.memory_space<vmem>>[vector<16xi32>], vector<16xf32>,
    %get3A_330 = arith.constant 448 : index
    %get3A_331 = tpu.vector_load %arg11[%get3A_330] {strides = array<i32>} : memref<512xf32, #tpu.memory_space<vmem>>, vector<16xf32>,
    %mul3A_332 = arith.mulf %gather3A_329, %get3A_331 : vector<16xf32>
    %swap3A_333 = arith.constant 448 : index
    %swap3A_334 = tpu.vector_load %arg13[%swap3A_333] {strides = array<i32>} : memref<512xf32, #tpu.memory_space<vmem>>, vector<16xf32>,
    tpu.vector_store %arg13[%swap3A_333], %mul3A_332 {strides = array<i32>} : memref<512xf32, #tpu.memory_space<vmem>>, vector<16xf32>,
    %get3A_335 = arith.constant 464 : index
    %get3A_336 = tpu.vector_load %arg8[%get3A_335] {strides = array<i32>} : memref<512xi32, #tpu.memory_space<vmem>>, vector<16xi32>,
    %gather3A_337 = tpu.vector_load_idx %arg9[%get3A_336] : memref<2048xi32, #tpu.memory_space<vmem>>[vector<16xi32>], vector<16xi32>,
    %swap3A_338 = arith.constant 464 : index
    %swap3A_339 = tpu.vector_load %arg12[%swap3A_338] {strides = array<i32>} : memref<512xi32, #tpu.memory_space<vmem>>, vector<16xi32>,
    tpu.vector_store %arg12[%swap3A_338], %gather3A_337 {strides = array<i32>} : memref<512xi32, #tpu.memory_space<vmem>>, vector<16xi32>,
    %gather3A_340 = tpu.vector_load_idx %arg10[%get3A_336] : memref<2048xf32, #tpu.memory_space<vmem>>[vector<16xi32>], vector<16xf32>,
    %get3A_341 = arith.constant 464 : index
    %get3A_342 = tpu.vector_load %arg11[%get3A_341] {strides = array<i32>} : memref<512xf32, #tpu.memory_space<vmem>>, vector<16xf32>,
    %mul3A_343 = arith.mulf %gather3A_340, %get3A_342 : vector<16xf32>
    %swap3A_344 = arith.constant 464 : index
    %swap3A_345 = tpu.vector_load %arg13[%swap3A_344] {strides = array<i32>} : memref<512xf32, #tpu.memory_space<vmem>>, vector<16xf32>,
    tpu.vector_store %arg13[%swap3A_344], %mul3A_343 {strides = array<i32>} : memref<512xf32, #tpu.memory_space<vmem>>, vector<16xf32>,
    %get3A_346 = arith.constant 480 : index
    %get3A_347 = tpu.vector_load %arg8[%get3A_346] {strides = array<i32>} : memref<512xi32, #tpu.memory_space<vmem>>, vector<16xi32>,
    %gather3A_348 = tpu.vector_load_idx %arg9[%get3A_347] : memref<2048xi32, #tpu.memory_space<vmem>>[vector<16xi32>], vector<16xi32>,
    %swap3A_349 = arith.constant 480 : index
    %swap3A_350 = tpu.vector_load %arg12[%swap3A_349] {strides = array<i32>} : memref<512xi32, #tpu.memory_space<vmem>>, vector<16xi32>,
    tpu.vector_store %arg12[%swap3A_349], %gather3A_348 {strides = array<i32>} : memref<512xi32, #tpu.memory_space<vmem>>, vector<16xi32>,
    %gather3A_351 = tpu.vector_load_idx %arg10[%get3A_347] : memref<2048xf32, #tpu.memory_space<vmem>>[vector<16xi32>], vector<16xf32>,
    %get3A_352 = arith.constant 480 : index
    %get3A_353 = tpu.vector_load %arg11[%get3A_352] {strides = array<i32>} : memref<512xf32, #tpu.memory_space<vmem>>, vector<16xf32>,
    %mul3A_354 = arith.mulf %gather3A_351, %get3A_353 : vector<16xf32>
    %swap3A_355 = arith.constant 480 : index
    %swap3A_356 = tpu.vector_load %arg13[%swap3A_355] {strides = array<i32>} : memref<512xf32, #tpu.memory_space<vmem>>, vector<16xf32>,
    tpu.vector_store %arg13[%swap3A_355], %mul3A_354 {strides = array<i32>} : memref<512xf32, #tpu.memory_space<vmem>>, vector<16xf32>,
    %get3A_357 = arith.constant 496 : index
    %get3A_358 = tpu.vector_load %arg8[%get3A_357] {strides = array<i32>} : memref<512xi32, #tpu.memory_space<vmem>>, vector<16xi32>,
    %gather3A_359 = tpu.vector_load_idx %arg9[%get3A_358] : memref<2048xi32, #tpu.memory_space<vmem>>[vector<16xi32>], vector<16xi32>,
    %swap3A_360 = arith.constant 496 : index
    %swap3A_361 = tpu.vector_load %arg12[%swap3A_360] {strides = array<i32>} : memref<512xi32, #tpu.memory_space<vmem>>, vector<16xi32>,
    tpu.vector_store %arg12[%swap3A_360], %gather3A_359 {strides = array<i32>} : memref<512xi32, #tpu.memory_space<vmem>>, vector<16xi32>,
    %gather3A_362 = tpu.vector_load_idx %arg10[%get3A_358] : memref<2048xf32, #tpu.memory_space<vmem>>[vector<16xi32>], vector<16xf32>,
    %get3A_363 = arith.constant 496 : index
    %get3A_364 = tpu.vector_load %arg11[%get3A_363] {strides = array<i32>} : memref<512xf32, #tpu.memory_space<vmem>>, vector<16xf32>,
    %mul3A_365 = arith.mulf %gather3A_362, %get3A_364 : vector<16xf32>
    %swap3A_366 = arith.constant 496 : index
    %swap3A_367 = tpu.vector_load %arg13[%swap3A_366] {strides = array<i32>} : memref<512xf32, #tpu.memory_space<vmem>>, vector<16xf32>,
    tpu.vector_store %arg13[%swap3A_366], %mul3A_365 {strides = array<i32>} : memref<512xf32, #tpu.memory_space<vmem>>, vector<16xf32>,
    "tpu.region"() ({
      %run_scoped3A = tpu.sem_alloc : memref<!tpu.dma_semaphore, #tpu.memory_space<semaphore_mem>>
      %dma_start3A = tpu.memref_slice %arg6[%mul3A_2] : memref<16384xi32, #tpu.memory_space<hbm>> -> memref<512xi32, #tpu.memory_space<hbm>>
      %dma_start3A_368 = tpu.memref_slice %arg6[%mul3A_2] : memref<16384xi32, #tpu.memory_space<hbm>> -> memref<512xi32, #tpu.memory_space<hbm>>
      tpu.enqueue_dma source(%arg12 : memref<512xi32, #tpu.memory_space<vmem>>) target(%dma_start3A_368 : memref<512xi32, #tpu.memory_space<hbm>>) target_semaphore(%run_scoped3A : memref<!tpu.dma_semaphore, #tpu.memory_space<semaphore_mem>>)
      %dma_wait3A = tpu.memref_slice %arg6[%mul3A_2] : memref<16384xi32, #tpu.memory_space<hbm>> -> memref<512xi32, #tpu.memory_space<hbm>>
      %dma_wait3A_369 = tpu.memref_slice %arg6[%mul3A_2] : memref<16384xi32, #tpu.memory_space<hbm>> -> memref<512xi32, #tpu.memory_space<hbm>>
      tpu.wait_dma2 semaphore(%run_scoped3A : memref<!tpu.dma_semaphore, #tpu.memory_space<semaphore_mem>>) src(%arg12 : memref<512xi32, #tpu.memory_space<vmem>>) dst(%dma_wait3A_369 : memref<512xi32, #tpu.memory_space<hbm>>)
      tpu.yield
    }) : () -> ()
    "tpu.region"() ({
      %run_scoped3A = tpu.sem_alloc : memref<!tpu.dma_semaphore, #tpu.memory_space<semaphore_mem>>
      %dma_start3A = tpu.memref_slice %arg7[%mul3A_2] : memref<16384xf32, #tpu.memory_space<hbm>> -> memref<512xf32, #tpu.memory_space<hbm>>
      %dma_start3A_368 = tpu.memref_slice %arg7[%mul3A_2] : memref<16384xf32, #tpu.memory_space<hbm>> -> memref<512xf32, #tpu.memory_space<hbm>>
      tpu.enqueue_dma source(%arg13 : memref<512xf32, #tpu.memory_space<vmem>>) target(%dma_start3A_368 : memref<512xf32, #tpu.memory_space<hbm>>) target_semaphore(%run_scoped3A : memref<!tpu.dma_semaphore, #tpu.memory_space<semaphore_mem>>)
      %dma_wait3A = tpu.memref_slice %arg7[%mul3A_2] : memref<16384xf32, #tpu.memory_space<hbm>> -> memref<512xf32, #tpu.memory_space<hbm>>
      %dma_wait3A_369 = tpu.memref_slice %arg7[%mul3A_2] : memref<16384xf32, #tpu.memory_space<hbm>> -> memref<512xf32, #tpu.memory_space<hbm>>
      tpu.wait_dma2 semaphore(%run_scoped3A : memref<!tpu.dma_semaphore, #tpu.memory_space<semaphore_mem>>) src(%arg13 : memref<512xf32, #tpu.memory_space<vmem>>) dst(%dma_wait3A_369 : memref<512xf32, #tpu.memory_space<hbm>>)
      tpu.yield
    }) : () -> ()
    return
  }
}

module attributes {stable_mosaic.version = 14 : i64} {
  func.func @_pass1_body(%arg0: i32, %arg1: i32, %arg2: memref<1x256x128xbf16, #tpu.memory_space<vmem>>, %arg3: memref<1x2048x128xbf16, #tpu.memory_space<vmem>>, %arg4: memref<1x1x256xf32, #tpu.memory_space<vmem>>, %arg5: memref<1x1x2048xf32, #tpu.memory_space<vmem>>, %arg6: memref<1x1x256xf32, #tpu.memory_space<vmem>>, %arg7: memref<1x1x256xf32, #tpu.memory_space<vmem>>, %arg8: memref<1x1x1xf32, #tpu.memory_space<vmem>>) attributes {dimension_semantics = [#tpu.dimension_semantics<parallel>, #tpu.dimension_semantics<arbitrary>], iteration_bounds = array<i64: 8, 8>, scalar_prefetch = 0 : i64, scratch_operands = 0 : i64, tpu.core_type = #tpu.core_type<tc>, window_params = [{transform_indices = @transform_0, window_bounds = array<i64: 1, 256, 128>}, {transform_indices = @transform_1, window_bounds = array<i64: 1, 2048, 128>}, {transform_indices = @transform_2, window_bounds = array<i64: 1, 1, 256>}, {transform_indices = @transform_3, window_bounds = array<i64: 1, 1, 2048>}, {transform_indices = @transform_4, window_bounds = array<i64: 1, 1, 256>}, {transform_indices = @transform_5, window_bounds = array<i64: 1, 1, 256>}, {transform_indices = @transform_6, window_bounds = array<i64: 1, 1, 1>}]} {
    %get3A = arith.constant 0 : index
    %get3A_0 = arith.constant 0 : index
    %get3A_1 = arith.constant 0 : index
    %get3A_2 = vector.load %arg4[%get3A, %get3A_0, %get3A_1] : memref<1x1x256xf32, #tpu.memory_space<vmem>>, vector<1x1x256xf32>
    %get3A_3 = vector.shape_cast %get3A_2 : vector<1x1x256xf32> to vector<1x256xf32>
    %reshape3A = vector.shape_cast %get3A_3 : vector<1x256xf32> to vector<256x1xf32>
    %get3A_4 = arith.constant 0 : index
    %get3A_5 = arith.constant 0 : index
    %get3A_6 = arith.constant 0 : index
    %get3A_7 = vector.load %arg2[%get3A_4, %get3A_5, %get3A_6] : memref<1x256x128xbf16, #tpu.memory_space<vmem>>, vector<1x256x128xbf16>
    %get3A_8 = vector.shape_cast %get3A_7 : vector<1x256x128xbf16> to vector<256x128xbf16>
    %get3A_9 = arith.constant 0 : index
    %get3A_10 = arith.constant 0 : index
    %get3A_11 = arith.constant 0 : index
    %get3A_12 = vector.load %arg3[%get3A_9, %get3A_10, %get3A_11] : memref<1x2048x128xbf16, #tpu.memory_space<vmem>>, vector<1x2048x128xbf16>
    %get3A_13 = vector.shape_cast %get3A_12 : vector<1x2048x128xbf16> to vector<2048x128xbf16>
    %get3A_14 = arith.constant 0 : index
    %get3A_15 = arith.constant 0 : index
    %get3A_16 = arith.constant 0 : index
    %get3A_17 = vector.load %arg5[%get3A_14, %get3A_15, %get3A_16] : memref<1x1x2048xf32, #tpu.memory_space<vmem>>, vector<1x1x2048xf32>
    %get3A_18 = vector.shape_cast %get3A_17 : vector<1x1x2048xf32> to vector<1x2048xf32>
    %dot_general3A = arith.constant dense<0.000000e+00> : vector<256x2048xf32>
    %dot_general3A_19 = tpu.matmul %get3A_8, %get3A_13, %dot_general3A {dimension_numbers = #tpu.dot_dimension_numbers<[1], [1], [0], [0], [0, 0, 1, 0], [], []>, transpose_lhs_hint = false} : vector<256x128xbf16>, vector<2048x128xbf16>, vector<256x2048xf32> -> vector<256x2048xf32>
    %add3A = vector.broadcast %reshape3A : vector<256x1xf32> to vector<256x2048xf32>
    %add3A_20 = vector.broadcast %get3A_18 : vector<1x2048xf32> to vector<256x2048xf32>
    %add3A_21 = arith.addf %add3A, %add3A_20 : vector<256x2048xf32>
    %mul3A = arith.constant 2.000000e+00 : f32
    %mul3A_22 = vector.broadcast %mul3A : f32 to vector<256x2048xf32>
    %mul3A_23 = arith.mulf %mul3A_22, %dot_general3A_19 : vector<256x2048xf32>
    %sub3A = arith.subf %add3A_21, %mul3A_23 : vector<256x2048xf32>
    %iota3A = tpu.iota {dimensions = array<i32: 1>} : vector<256x2048xi32>
    %broadcast_in_dim3A = arith.constant 0.000000e+00 : f32
    %broadcast_in_dim3A_24 = vector.broadcast %broadcast_in_dim3A : f32 to vector<256x1xf32>
    %reduce_min3A = arith.constant dense<0x7F800000> : vector<256xf32>
    %reduce_min3A_25 = vector.multi_reduction <minimumf>, %sub3A, %reduce_min3A [1] : vector<256x2048xf32> to vector<256xf32>
    %broadcast_in_dim3A_26 = vector.shape_cast %reduce_min3A_25 : vector<256xf32> to vector<256x1xf32>
    %max3A = arith.constant 0.000000e+00 : f32
    %max3A_27 = vector.broadcast %max3A : f32 to vector<256x1xf32>
    %max3A_28 = arith.maximumf %broadcast_in_dim3A_26, %max3A_27 : vector<256x1xf32>
    %sqrt3A = math.sqrt %max3A_28 : vector<256x1xf32>
    %div3A = arith.constant 11.3137083 : f32
    %div3A_29 = vector.broadcast %div3A : f32 to vector<256x1xf32>
    %div3A_30 = arith.divf %sqrt3A, %div3A_29 : vector<256x1xf32>
    %mul3A_31 = arith.mulf %div3A_30, %div3A_30 : vector<256x1xf32>
    %add3A_32 = arith.addf %broadcast_in_dim3A_24, %mul3A_31 : vector<256x1xf32>
    %eq3A = vector.broadcast %broadcast_in_dim3A_26 : vector<256x1xf32> to vector<256x2048xf32>
    %eq3A_33 = arith.cmpf oeq, %sub3A, %eq3A : vector<256x2048xf32>
    %jit3A = arith.constant 2048 : i32
    %broadcast_in_dim3A_34 = vector.broadcast %jit3A : i32 to vector<256x2048xi32>
    %select_n3A = arith.select %eq3A_33, %iota3A, %broadcast_in_dim3A_34 : vector<256x2048xi1>, vector<256x2048xi32>
    %reduce_min3A_35 = arith.constant dense<2147483647> : vector<256xi32>
    %reduce_min3A_36 = vector.multi_reduction <minsi>, %select_n3A, %reduce_min3A_35 [1] : vector<256x2048xi32> to vector<256xi32>
    %broadcast_in_dim3A_37 = vector.shape_cast %reduce_min3A_36 : vector<256xi32> to vector<256x1xi32>
    %eq3A_38 = vector.broadcast %broadcast_in_dim3A_37 : vector<256x1xi32> to vector<256x2048xi32>
    %eq3A_39 = arith.cmpi eq, %iota3A, %eq3A_38 : vector<256x2048xi32>
    %jit3A_40 = arith.constant 0x7F800000 : f32
    %broadcast_in_dim3A_41 = vector.broadcast %jit3A_40 : f32 to vector<256x2048xf32>
    %select_n3A_42 = arith.select %eq3A_39, %broadcast_in_dim3A_41, %sub3A : vector<256x2048xi1>, vector<256x2048xf32>
    %reduce_min3A_43 = arith.constant dense<0x7F800000> : vector<256xf32>
    %reduce_min3A_44 = vector.multi_reduction <minimumf>, %select_n3A_42, %reduce_min3A_43 [1] : vector<256x2048xf32> to vector<256xf32>
    %broadcast_in_dim3A_45 = vector.shape_cast %reduce_min3A_44 : vector<256xf32> to vector<256x1xf32>
    %max3A_46 = arith.constant 0.000000e+00 : f32
    %max3A_47 = vector.broadcast %max3A_46 : f32 to vector<256x1xf32>
    %max3A_48 = arith.maximumf %broadcast_in_dim3A_45, %max3A_47 : vector<256x1xf32>
    %sqrt3A_49 = math.sqrt %max3A_48 : vector<256x1xf32>
    %div3A_50 = arith.constant 11.3137083 : f32
    %div3A_51 = vector.broadcast %div3A_50 : f32 to vector<256x1xf32>
    %div3A_52 = arith.divf %sqrt3A_49, %div3A_51 : vector<256x1xf32>
    %mul3A_53 = arith.mulf %div3A_52, %div3A_52 : vector<256x1xf32>
    %add3A_54 = arith.addf %add3A_32, %mul3A_53 : vector<256x1xf32>
    %eq3A_55 = vector.broadcast %broadcast_in_dim3A_45 : vector<256x1xf32> to vector<256x2048xf32>
    %eq3A_56 = arith.cmpf oeq, %select_n3A_42, %eq3A_55 : vector<256x2048xf32>
    %jit3A_57 = arith.constant 2048 : i32
    %broadcast_in_dim3A_58 = vector.broadcast %jit3A_57 : i32 to vector<256x2048xi32>
    %select_n3A_59 = arith.select %eq3A_56, %iota3A, %broadcast_in_dim3A_58 : vector<256x2048xi1>, vector<256x2048xi32>
    %reduce_min3A_60 = arith.constant dense<2147483647> : vector<256xi32>
    %reduce_min3A_61 = vector.multi_reduction <minsi>, %select_n3A_59, %reduce_min3A_60 [1] : vector<256x2048xi32> to vector<256xi32>
    %broadcast_in_dim3A_62 = vector.shape_cast %reduce_min3A_61 : vector<256xi32> to vector<256x1xi32>
    %eq3A_63 = vector.broadcast %broadcast_in_dim3A_62 : vector<256x1xi32> to vector<256x2048xi32>
    %eq3A_64 = arith.cmpi eq, %iota3A, %eq3A_63 : vector<256x2048xi32>
    %jit3A_65 = arith.constant 0x7F800000 : f32
    %broadcast_in_dim3A_66 = vector.broadcast %jit3A_65 : f32 to vector<256x2048xf32>
    %select_n3A_67 = arith.select %eq3A_64, %broadcast_in_dim3A_66, %select_n3A_42 : vector<256x2048xi1>, vector<256x2048xf32>
    %reduce_min3A_68 = arith.constant dense<0x7F800000> : vector<256xf32>
    %reduce_min3A_69 = vector.multi_reduction <minimumf>, %select_n3A_67, %reduce_min3A_68 [1] : vector<256x2048xf32> to vector<256xf32>
    %broadcast_in_dim3A_70 = vector.shape_cast %reduce_min3A_69 : vector<256xf32> to vector<256x1xf32>
    %max3A_71 = arith.constant 0.000000e+00 : f32
    %max3A_72 = vector.broadcast %max3A_71 : f32 to vector<256x1xf32>
    %max3A_73 = arith.maximumf %broadcast_in_dim3A_70, %max3A_72 : vector<256x1xf32>
    %sqrt3A_74 = math.sqrt %max3A_73 : vector<256x1xf32>
    %div3A_75 = arith.constant 11.3137083 : f32
    %div3A_76 = vector.broadcast %div3A_75 : f32 to vector<256x1xf32>
    %div3A_77 = arith.divf %sqrt3A_74, %div3A_76 : vector<256x1xf32>
    %mul3A_78 = arith.mulf %div3A_77, %div3A_77 : vector<256x1xf32>
    %add3A_79 = arith.addf %add3A_54, %mul3A_78 : vector<256x1xf32>
    %eq3A_80 = vector.broadcast %broadcast_in_dim3A_70 : vector<256x1xf32> to vector<256x2048xf32>
    %eq3A_81 = arith.cmpf oeq, %select_n3A_67, %eq3A_80 : vector<256x2048xf32>
    %jit3A_82 = arith.constant 2048 : i32
    %broadcast_in_dim3A_83 = vector.broadcast %jit3A_82 : i32 to vector<256x2048xi32>
    %select_n3A_84 = arith.select %eq3A_81, %iota3A, %broadcast_in_dim3A_83 : vector<256x2048xi1>, vector<256x2048xi32>
    %reduce_min3A_85 = arith.constant dense<2147483647> : vector<256xi32>
    %reduce_min3A_86 = vector.multi_reduction <minsi>, %select_n3A_84, %reduce_min3A_85 [1] : vector<256x2048xi32> to vector<256xi32>
    %broadcast_in_dim3A_87 = vector.shape_cast %reduce_min3A_86 : vector<256xi32> to vector<256x1xi32>
    %eq3A_88 = vector.broadcast %broadcast_in_dim3A_87 : vector<256x1xi32> to vector<256x2048xi32>
    %eq3A_89 = arith.cmpi eq, %iota3A, %eq3A_88 : vector<256x2048xi32>
    %jit3A_90 = arith.constant 0x7F800000 : f32
    %broadcast_in_dim3A_91 = vector.broadcast %jit3A_90 : f32 to vector<256x2048xf32>
    %select_n3A_92 = arith.select %eq3A_89, %broadcast_in_dim3A_91, %select_n3A_67 : vector<256x2048xi1>, vector<256x2048xf32>
    %reduce_min3A_93 = arith.constant dense<0x7F800000> : vector<256xf32>
    %reduce_min3A_94 = vector.multi_reduction <minimumf>, %select_n3A_92, %reduce_min3A_93 [1] : vector<256x2048xf32> to vector<256xf32>
    %broadcast_in_dim3A_95 = vector.shape_cast %reduce_min3A_94 : vector<256xf32> to vector<256x1xf32>
    %max3A_96 = arith.constant 0.000000e+00 : f32
    %max3A_97 = vector.broadcast %max3A_96 : f32 to vector<256x1xf32>
    %max3A_98 = arith.maximumf %broadcast_in_dim3A_95, %max3A_97 : vector<256x1xf32>
    %sqrt3A_99 = math.sqrt %max3A_98 : vector<256x1xf32>
    %div3A_100 = arith.constant 11.3137083 : f32
    %div3A_101 = vector.broadcast %div3A_100 : f32 to vector<256x1xf32>
    %div3A_102 = arith.divf %sqrt3A_99, %div3A_101 : vector<256x1xf32>
    %mul3A_103 = arith.mulf %div3A_102, %div3A_102 : vector<256x1xf32>
    %add3A_104 = arith.addf %add3A_79, %mul3A_103 : vector<256x1xf32>
    %eq3A_105 = vector.broadcast %broadcast_in_dim3A_95 : vector<256x1xf32> to vector<256x2048xf32>
    %eq3A_106 = arith.cmpf oeq, %select_n3A_92, %eq3A_105 : vector<256x2048xf32>
    %jit3A_107 = arith.constant 2048 : i32
    %broadcast_in_dim3A_108 = vector.broadcast %jit3A_107 : i32 to vector<256x2048xi32>
    %select_n3A_109 = arith.select %eq3A_106, %iota3A, %broadcast_in_dim3A_108 : vector<256x2048xi1>, vector<256x2048xi32>
    %reduce_min3A_110 = arith.constant dense<2147483647> : vector<256xi32>
    %reduce_min3A_111 = vector.multi_reduction <minsi>, %select_n3A_109, %reduce_min3A_110 [1] : vector<256x2048xi32> to vector<256xi32>
    %broadcast_in_dim3A_112 = vector.shape_cast %reduce_min3A_111 : vector<256xi32> to vector<256x1xi32>
    %eq3A_113 = vector.broadcast %broadcast_in_dim3A_112 : vector<256x1xi32> to vector<256x2048xi32>
    %eq3A_114 = arith.cmpi eq, %iota3A, %eq3A_113 : vector<256x2048xi32>
    %jit3A_115 = arith.constant 0x7F800000 : f32
    %broadcast_in_dim3A_116 = vector.broadcast %jit3A_115 : f32 to vector<256x2048xf32>
    %select_n3A_117 = arith.select %eq3A_114, %broadcast_in_dim3A_116, %select_n3A_92 : vector<256x2048xi1>, vector<256x2048xf32>
    %reduce_min3A_118 = arith.constant dense<0x7F800000> : vector<256xf32>
    %reduce_min3A_119 = vector.multi_reduction <minimumf>, %select_n3A_117, %reduce_min3A_118 [1] : vector<256x2048xf32> to vector<256xf32>
    %broadcast_in_dim3A_120 = vector.shape_cast %reduce_min3A_119 : vector<256xf32> to vector<256x1xf32>
    %max3A_121 = arith.constant 0.000000e+00 : f32
    %max3A_122 = vector.broadcast %max3A_121 : f32 to vector<256x1xf32>
    %max3A_123 = arith.maximumf %broadcast_in_dim3A_120, %max3A_122 : vector<256x1xf32>
    %sqrt3A_124 = math.sqrt %max3A_123 : vector<256x1xf32>
    %div3A_125 = arith.constant 11.3137083 : f32
    %div3A_126 = vector.broadcast %div3A_125 : f32 to vector<256x1xf32>
    %div3A_127 = arith.divf %sqrt3A_124, %div3A_126 : vector<256x1xf32>
    %mul3A_128 = arith.mulf %div3A_127, %div3A_127 : vector<256x1xf32>
    %add3A_129 = arith.addf %add3A_104, %mul3A_128 : vector<256x1xf32>
    %div3A_130 = arith.constant 5.000000e+00 : f32
    %div3A_131 = vector.broadcast %div3A_130 : f32 to vector<256x1xf32>
    %div3A_132 = arith.divf %add3A_129, %div3A_131 : vector<256x1xf32>
    %neg3A = arith.constant 0.000000e+00 : f32
    %neg3A_133 = vector.broadcast %neg3A : f32 to vector<256x1xf32>
    %neg3A_134 = arith.subf %neg3A_133, %div3A_132 : vector<256x1xf32>
    %exp3A = math.exp %neg3A_134 : vector<256x1xf32>
    %reshape3A_135 = vector.shape_cast %exp3A : vector<256x1xf32> to vector<1x256xf32>
    %get3A_136 = arith.constant 0 : index
    %get3A_137 = arith.constant 0 : index
    %get3A_138 = arith.constant 0 : index
    %get3A_139 = vector.load %arg6[%get3A_136, %get3A_137, %get3A_138] : memref<1x1x256xf32, #tpu.memory_space<vmem>>, vector<1x1x256xf32>
    %get3A_140 = vector.shape_cast %get3A_139 : vector<1x1x256xf32> to vector<1x256xf32>
    %add3A_141 = arith.addf %reshape3A_135, %get3A_140 : vector<1x256xf32>
    %swap3A = arith.constant 0 : index
    %swap3A_142 = arith.constant 0 : index
    %swap3A_143 = arith.constant 0 : index
    %swap3A_144 = vector.load %arg7[%swap3A, %swap3A_142, %swap3A_143] : memref<1x1x256xf32, #tpu.memory_space<vmem>>, vector<1x1x256xf32>
    %swap3A_145 = vector.shape_cast %swap3A_144 : vector<1x1x256xf32> to vector<1x256xf32>
    %swap3A_146 = vector.shape_cast %add3A_141 : vector<1x256xf32> to vector<1x1x256xf32>
    tpu.vector_store %arg7[%swap3A, %swap3A_142, %swap3A_143], %swap3A_146 {strides = array<i32>} : memref<1x1x256xf32, #tpu.memory_space<vmem>>, vector<1x1x256xf32>,
    %reduce_max3A = vector.shape_cast %sub3A : vector<256x2048xf32> to vector<1x256x2048xf32>
    %reduce_max3A_147 = arith.constant dense<0xFF800000> : vector<1xf32>
    %reduce_max3A_148 = vector.multi_reduction <maximumf>, %reduce_max3A, %reduce_max3A_147 [1, 2] : vector<1x256x2048xf32> to vector<1xf32>
    %reduce_max3A_149 = vector.shape_cast %reduce_max3A_148 : vector<1xf32> to vector<1x1x1xf32>
    %reduce_max3A_150 = vector.extract %reduce_max3A_149[0, 0, 0] : f32 from vector<1x1x1xf32>
    %broadcast_in_dim3A_151 = vector.broadcast %reduce_max3A_150 : f32 to vector<1x1xf32>
    %reshape3A_152 = vector.shape_cast %broadcast_in_dim3A_151 : vector<1x1xf32> to vector<1x1x1xf32>
    %eq3A_153 = arith.constant 0 : i32
    %eq3A_154 = arith.cmpi eq, %arg1, %eq3A_153 : i32
    %convert_element_type3A = arith.extui %eq3A_154 : i1 to i32
    %cond3A = arith.constant 0 : i32
    %cond3A_155 = arith.cmpi ne, %convert_element_type3A, %cond3A : i32
    scf.if %cond3A_155 {
      %swap3A_160 = arith.constant 0 : index
      %swap3A_161 = arith.constant 0 : index
      %swap3A_162 = arith.constant 0 : index
      %swap3A_163 = vector.load %arg8[%swap3A_160, %swap3A_161, %swap3A_162] : memref<1x1x1xf32, #tpu.memory_space<vmem>>, vector<1x1x1xf32>
      tpu.vector_store %arg8[%swap3A_160, %swap3A_161, %swap3A_162], %reshape3A_152 {strides = array<i32>} : memref<1x1x1xf32, #tpu.memory_space<vmem>>, vector<1x1x1xf32>,
    } else {
    }
    %ne3A = arith.constant 0 : i32
    %ne3A_156 = arith.cmpi ne, %arg1, %ne3A : i32
    %convert_element_type3A_157 = arith.extui %ne3A_156 : i1 to i32
    %cond3A_158 = arith.constant 0 : i32
    %cond3A_159 = arith.cmpi ne, %convert_element_type3A_157, %cond3A_158 : i32
    scf.if %cond3A_159 {
      %get3A_160 = arith.constant 0 : index
      %get3A_161 = arith.constant 0 : index
      %get3A_162 = arith.constant 0 : index
      %get3A_163 = vector.load %arg8[%get3A_160, %get3A_161, %get3A_162] : memref<1x1x1xf32, #tpu.memory_space<vmem>>, vector<1x1x1xf32>
      %max3A_164 = arith.maximumf %get3A_163, %reshape3A_152 : vector<1x1x1xf32>
      %swap3A_165 = arith.constant 0 : index
      %swap3A_166 = arith.constant 0 : index
      %swap3A_167 = arith.constant 0 : index
      %swap3A_168 = vector.load %arg8[%swap3A_165, %swap3A_166, %swap3A_167] : memref<1x1x1xf32, #tpu.memory_space<vmem>>, vector<1x1x1xf32>
      tpu.vector_store %arg8[%swap3A_165, %swap3A_166, %swap3A_167], %max3A_164 {strides = array<i32>} : memref<1x1x1xf32, #tpu.memory_space<vmem>>, vector<1x1x1xf32>,
    } else {
    }
    return
  }
  func.func @transform_0(%arg0: i32, %arg1: i32) -> (i32, i32, i32) {
    %c0_i32 = arith.constant 0 : i32
    %c0_i32_0 = arith.constant 0 : i32
    return %arg0, %arg1, %c0_i32 : i32, i32, i32
  }
  func.func @transform_1(%arg0: i32, %arg1: i32) -> (i32, i32, i32) {
    %c0_i32 = arith.constant 0 : i32
    %c0_i32_0 = arith.constant 0 : i32
    %c0_i32_1 = arith.constant 0 : i32
    return %arg0, %c0_i32, %c0_i32_0 : i32, i32, i32
  }
  func.func @transform_2(%arg0: i32, %arg1: i32) -> (i32, i32, i32) {
    %c0_i32 = arith.constant 0 : i32
    %c0_i32_0 = arith.constant 0 : i32
    return %arg0, %c0_i32, %arg1 : i32, i32, i32
  }
  func.func @transform_3(%arg0: i32, %arg1: i32) -> (i32, i32, i32) {
    %c0_i32 = arith.constant 0 : i32
    %c0_i32_0 = arith.constant 0 : i32
    %c0_i32_1 = arith.constant 0 : i32
    return %arg0, %c0_i32, %c0_i32_0 : i32, i32, i32
  }
  func.func @transform_4(%arg0: i32, %arg1: i32) -> (i32, i32, i32) {
    %c0_i32 = arith.constant 0 : i32
    %c0_i32_0 = arith.constant 0 : i32
    return %arg0, %c0_i32, %arg1 : i32, i32, i32
  }
  func.func @transform_5(%arg0: i32, %arg1: i32) -> (i32, i32, i32) {
    %c0_i32 = arith.constant 0 : i32
    %c0_i32_0 = arith.constant 0 : i32
    return %arg0, %c0_i32, %arg1 : i32, i32, i32
  }
  func.func @transform_6(%arg0: i32, %arg1: i32) -> (i32, i32, i32) {
    %c0_i32 = arith.constant 0 : i32
    %c0_i32_0 = arith.constant 0 : i32
    %c0_i32_1 = arith.constant 0 : i32
    return %arg0, %c0_i32, %c0_i32_0 : i32, i32, i32
  }
}

module attributes {stable_mosaic.version = 14 : i64} {
  func.func @_pass2_body(%arg0: i32, %arg1: i32, %arg2: memref<1x256x128xbf16, #tpu.memory_space<vmem>>, %arg3: memref<1x2048x128xbf16, #tpu.memory_space<vmem>>, %arg4: memref<1x1x256xf32, #tpu.memory_space<vmem>>, %arg5: memref<1x1x2048xf32, #tpu.memory_space<vmem>>, %arg6: memref<1x1x2048xf32, #tpu.memory_space<vmem>>, %arg7: memref<1x1x256xf32, #tpu.memory_space<vmem>>, %arg8: memref<1x1x1xf32, #tpu.memory_space<vmem>>, %arg9: memref<1x1x256xf32, #tpu.memory_space<vmem>>) attributes {dimension_semantics = [#tpu.dimension_semantics<parallel>, #tpu.dimension_semantics<arbitrary>], iteration_bounds = array<i64: 8, 8>, scalar_prefetch = 0 : i64, scratch_operands = 0 : i64, tpu.core_type = #tpu.core_type<tc>, window_params = [{transform_indices = @transform_0, window_bounds = array<i64: 1, 256, 128>}, {transform_indices = @transform_1, window_bounds = array<i64: 1, 2048, 128>}, {transform_indices = @transform_2, window_bounds = array<i64: 1, 1, 256>}, {transform_indices = @transform_3, window_bounds = array<i64: 1, 1, 2048>}, {transform_indices = @transform_4, window_bounds = array<i64: 1, 1, 2048>}, {transform_indices = @transform_5, window_bounds = array<i64: 1, 1, 256>}, {transform_indices = @transform_6, window_bounds = array<i64: 1, 1, 1>}, {transform_indices = @transform_7, window_bounds = array<i64: 1, 1, 256>}]} {
    %get3A = arith.constant 0 : index
    %get3A_0 = arith.constant 0 : index
    %get3A_1 = arith.constant 0 : index
    %get3A_2 = vector.load %arg4[%get3A, %get3A_0, %get3A_1] : memref<1x1x256xf32, #tpu.memory_space<vmem>>, vector<1x1x256xf32>
    %get3A_3 = vector.shape_cast %get3A_2 : vector<1x1x256xf32> to vector<1x256xf32>
    %reshape3A = vector.shape_cast %get3A_3 : vector<1x256xf32> to vector<256x1xf32>
    %get3A_4 = arith.constant 0 : index
    %get3A_5 = arith.constant 0 : index
    %get3A_6 = arith.constant 0 : index
    %get3A_7 = vector.load %arg2[%get3A_4, %get3A_5, %get3A_6] : memref<1x256x128xbf16, #tpu.memory_space<vmem>>, vector<1x256x128xbf16>
    %get3A_8 = vector.shape_cast %get3A_7 : vector<1x256x128xbf16> to vector<256x128xbf16>
    %get3A_9 = arith.constant 0 : index
    %get3A_10 = arith.constant 0 : index
    %get3A_11 = arith.constant 0 : index
    %get3A_12 = vector.load %arg3[%get3A_9, %get3A_10, %get3A_11] : memref<1x2048x128xbf16, #tpu.memory_space<vmem>>, vector<1x2048x128xbf16>
    %get3A_13 = vector.shape_cast %get3A_12 : vector<1x2048x128xbf16> to vector<2048x128xbf16>
    %get3A_14 = arith.constant 0 : index
    %get3A_15 = arith.constant 0 : index
    %get3A_16 = arith.constant 0 : index
    %get3A_17 = vector.load %arg5[%get3A_14, %get3A_15, %get3A_16] : memref<1x1x2048xf32, #tpu.memory_space<vmem>>, vector<1x1x2048xf32>
    %get3A_18 = vector.shape_cast %get3A_17 : vector<1x1x2048xf32> to vector<1x2048xf32>
    %dot_general3A = arith.constant dense<0.000000e+00> : vector<256x2048xf32>
    %dot_general3A_19 = tpu.matmul %get3A_8, %get3A_13, %dot_general3A {dimension_numbers = #tpu.dot_dimension_numbers<[1], [1], [0], [0], [0, 0, 1, 0], [], []>, transpose_lhs_hint = false} : vector<256x128xbf16>, vector<2048x128xbf16>, vector<256x2048xf32> -> vector<256x2048xf32>
    %add3A = vector.broadcast %reshape3A : vector<256x1xf32> to vector<256x2048xf32>
    %add3A_20 = vector.broadcast %get3A_18 : vector<1x2048xf32> to vector<256x2048xf32>
    %add3A_21 = arith.addf %add3A, %add3A_20 : vector<256x2048xf32>
    %mul3A = arith.constant 2.000000e+00 : f32
    %mul3A_22 = vector.broadcast %mul3A : f32 to vector<256x2048xf32>
    %mul3A_23 = arith.mulf %mul3A_22, %dot_general3A_19 : vector<256x2048xf32>
    %sub3A = arith.subf %add3A_21, %mul3A_23 : vector<256x2048xf32>
    %get3A_24 = arith.constant 0 : index
    %get3A_25 = arith.constant 0 : index
    %get3A_26 = arith.constant 0 : index
    %get3A_27 = vector.load %arg6[%get3A_24, %get3A_25, %get3A_26] : memref<1x1x2048xf32, #tpu.memory_space<vmem>>, vector<1x1x2048xf32>
    %get3A_28 = vector.shape_cast %get3A_27 : vector<1x1x2048xf32> to vector<1x2048xf32>
    %get3A_29 = arith.constant 0 : index
    %get3A_30 = arith.constant 0 : index
    %get3A_31 = arith.constant 0 : index
    %get3A_32 = vector.load %arg7[%get3A_29, %get3A_30, %get3A_31] : memref<1x1x256xf32, #tpu.memory_space<vmem>>, vector<1x1x256xf32>
    %get3A_33 = vector.shape_cast %get3A_32 : vector<1x1x256xf32> to vector<1x256xf32>
    %reshape3A_34 = vector.shape_cast %get3A_33 : vector<1x256xf32> to vector<256x1xf32>
    %get3A_35 = arith.constant 0 : index
    %get3A_36 = arith.constant 0 : index
    %get3A_37 = arith.constant 0 : index
    %get3A_38 = vector.load %arg8[%get3A_35, %get3A_36, %get3A_37] : memref<1x1x1xf32, #tpu.memory_space<vmem>>, vector<1x1x1xf32>
    %get3A_39 = vector.shape_cast %get3A_38 : vector<1x1x1xf32> to vector<1x1xf32>
    %gt3A = vector.broadcast %get3A_28 : vector<1x2048xf32> to vector<256x2048xf32>
    %gt3A_40 = vector.broadcast %reshape3A_34 : vector<256x1xf32> to vector<256x2048xf32>
    %gt3A_41 = arith.cmpf ogt, %gt3A, %gt3A_40 : vector<256x2048xf32>
    %broadcast_in_dim3A = vector.shape_cast %get3A_39 : vector<1x1xf32> to vector<1x1xf32>
    %broadcast_in_dim3A_42 = vector.broadcast %broadcast_in_dim3A : vector<1x1xf32> to vector<256x2048xf32>
    %select_n3A = arith.select %gt3A_41, %sub3A, %broadcast_in_dim3A_42 : vector<256x2048xi1>, vector<256x2048xf32>
    %reduce_min3A = arith.constant dense<0x7F800000> : vector<256xf32>
    %reduce_min3A_43 = vector.multi_reduction <minimumf>, %select_n3A, %reduce_min3A [1] : vector<256x2048xf32> to vector<256xf32>
    %broadcast_in_dim3A_44 = vector.shape_cast %reduce_min3A_43 : vector<256xf32> to vector<256x1xf32>
    %max3A = arith.constant 0.000000e+00 : f32
    %max3A_45 = vector.broadcast %max3A : f32 to vector<256x1xf32>
    %max3A_46 = arith.maximumf %broadcast_in_dim3A_44, %max3A_45 : vector<256x1xf32>
    %sqrt3A = math.sqrt %max3A_46 : vector<256x1xf32>
    %div3A = arith.constant 11.3137083 : f32
    %div3A_47 = vector.broadcast %div3A : f32 to vector<256x1xf32>
    %div3A_48 = arith.divf %sqrt3A, %div3A_47 : vector<256x1xf32>
    %mul3A_49 = arith.mulf %div3A_48, %reshape3A_34 : vector<256x1xf32>
    %reshape3A_50 = vector.shape_cast %mul3A_49 : vector<256x1xf32> to vector<1x256xf32>
    %swap3A = arith.constant 0 : index
    %swap3A_51 = arith.constant 0 : index
    %swap3A_52 = arith.constant 0 : index
    %swap3A_53 = vector.load %arg9[%swap3A, %swap3A_51, %swap3A_52] : memref<1x1x256xf32, #tpu.memory_space<vmem>>, vector<1x1x256xf32>
    %swap3A_54 = vector.shape_cast %swap3A_53 : vector<1x1x256xf32> to vector<1x256xf32>
    %swap3A_55 = vector.shape_cast %reshape3A_50 : vector<1x256xf32> to vector<1x1x256xf32>
    tpu.vector_store %arg9[%swap3A, %swap3A_51, %swap3A_52], %swap3A_55 {strides = array<i32>} : memref<1x1x256xf32, #tpu.memory_space<vmem>>, vector<1x1x256xf32>,
    return
  }
  func.func @transform_0(%arg0: i32, %arg1: i32) -> (i32, i32, i32) {
    %c0_i32 = arith.constant 0 : i32
    %c0_i32_0 = arith.constant 0 : i32
    return %arg0, %arg1, %c0_i32 : i32, i32, i32
  }
  func.func @transform_1(%arg0: i32, %arg1: i32) -> (i32, i32, i32) {
    %c0_i32 = arith.constant 0 : i32
    %c0_i32_0 = arith.constant 0 : i32
    %c0_i32_1 = arith.constant 0 : i32
    return %arg0, %c0_i32, %c0_i32_0 : i32, i32, i32
  }
  func.func @transform_2(%arg0: i32, %arg1: i32) -> (i32, i32, i32) {
    %c0_i32 = arith.constant 0 : i32
    %c0_i32_0 = arith.constant 0 : i32
    return %arg0, %c0_i32, %arg1 : i32, i32, i32
  }
  func.func @transform_3(%arg0: i32, %arg1: i32) -> (i32, i32, i32) {
    %c0_i32 = arith.constant 0 : i32
    %c0_i32_0 = arith.constant 0 : i32
    %c0_i32_1 = arith.constant 0 : i32
    return %arg0, %c0_i32, %c0_i32_0 : i32, i32, i32
  }
  func.func @transform_4(%arg0: i32, %arg1: i32) -> (i32, i32, i32) {
    %c0_i32 = arith.constant 0 : i32
    %c0_i32_0 = arith.constant 0 : i32
    %c0_i32_1 = arith.constant 0 : i32
    return %arg0, %c0_i32, %c0_i32_0 : i32, i32, i32
  }
  func.func @transform_5(%arg0: i32, %arg1: i32) -> (i32, i32, i32) {
    %c0_i32 = arith.constant 0 : i32
    %c0_i32_0 = arith.constant 0 : i32
    return %arg0, %c0_i32, %arg1 : i32, i32, i32
  }
  func.func @transform_6(%arg0: i32, %arg1: i32) -> (i32, i32, i32) {
    %c0_i32 = arith.constant 0 : i32
    %c0_i32_0 = arith.constant 0 : i32
    %c0_i32_1 = arith.constant 0 : i32
    return %arg0, %c0_i32, %c0_i32_0 : i32, i32, i32
  }
  func.func @transform_7(%arg0: i32, %arg1: i32) -> (i32, i32, i32) {
    %c0_i32 = arith.constant 0 : i32
    %c0_i32_0 = arith.constant 0 : i32
    return %arg0, %c0_i32, %arg1 : i32, i32, i32
  }
}

module attributes {stable_mosaic.version = 14 : i64} {
  func.func @_finalize_body(%arg0: i32, %arg1: memref<1x2048x128xf32, #tpu.memory_space<vmem>>, %arg2: memref<1x2048x128xbf16, #tpu.memory_space<vmem>>, %arg3: memref<1x1x2048xf32, #tpu.memory_space<vmem>>, %arg4: memref<1x1x2048xf32, #tpu.memory_space<vmem>>, %arg5: memref<1x1x2048xf32, #tpu.memory_space<vmem>>, %arg6: memref<1x2x128xf32, #tpu.memory_space<vmem>>, %arg7: memref<1x1x2048xi32, #tpu.memory_space<vmem>>, %arg8: memref<1x1x2048xf32, #tpu.memory_space<vmem>>) attributes {dimension_semantics = [#tpu.dimension_semantics<arbitrary>], iteration_bounds = array<i64: 8>, scalar_prefetch = 0 : i64, scratch_operands = 0 : i64, tpu.core_type = #tpu.core_type<tc>, window_params = [{transform_indices = @transform_0, window_bounds = array<i64: 1, 2048, 128>}, {transform_indices = @transform_1, window_bounds = array<i64: 1, 2048, 128>}, {transform_indices = @transform_2, window_bounds = array<i64: 1, 1, 2048>}, {transform_indices = @transform_3, window_bounds = array<i64: 1, 1, 2048>}, {transform_indices = @transform_4, window_bounds = array<i64: 1, 1, 2048>}, {transform_indices = @transform_5, window_bounds = array<i64: 1, 2, 128>}, {transform_indices = @transform_6, window_bounds = array<i64: 1, 1, 2048>}, {transform_indices = @transform_7, window_bounds = array<i64: 1, 1, 2048>}]} {
    %get3A = arith.constant 0 : index
    %get3A_0 = arith.constant 0 : index
    %get3A_1 = arith.constant 0 : index
    %get3A_2 = vector.load %arg4[%get3A, %get3A_0, %get3A_1] : memref<1x1x2048xf32, #tpu.memory_space<vmem>>, vector<1x1x2048xf32>
    %get3A_3 = vector.shape_cast %get3A_2 : vector<1x1x2048xf32> to vector<1x2048xf32>
    %iota3A = tpu.iota {dimensions = array<i32: 1>} : vector<1x2048xi32>
    %reduce_max3A = vector.shape_cast %get3A_3 : vector<1x2048xf32> to vector<1x1x2048xf32>
    %reduce_max3A_4 = arith.constant dense<0xFF800000> : vector<1xf32>
    %reduce_max3A_5 = vector.multi_reduction <maximumf>, %reduce_max3A, %reduce_max3A_4 [1, 2] : vector<1x1x2048xf32> to vector<1xf32>
    %reduce_max3A_6 = vector.shape_cast %reduce_max3A_5 : vector<1xf32> to vector<1x1x1xf32>
    %reduce_max3A_7 = vector.extract %reduce_max3A_6[0, 0, 0] : f32 from vector<1x1x1xf32>
    %broadcast_in_dim3A = vector.broadcast %reduce_max3A_7 : f32 to vector<1x1xf32>
    %eq3A = vector.broadcast %broadcast_in_dim3A : vector<1x1xf32> to vector<1x2048xf32>
    %eq3A_8 = arith.cmpf oeq, %get3A_3, %eq3A : vector<1x2048xf32>
    %jit3A = arith.constant 2048 : i32
    %broadcast_in_dim3A_9 = vector.broadcast %jit3A : i32 to vector<1x2048xi32>
    %select_n3A = arith.select %eq3A_8, %iota3A, %broadcast_in_dim3A_9 : vector<1x2048xi1>, vector<1x2048xi32>
    %reduce_min3A = vector.shape_cast %select_n3A : vector<1x2048xi32> to vector<1x1x2048xi32>
    %reduce_min3A_10 = arith.constant dense<2147483647> : vector<1xi32>
    %reduce_min3A_11 = vector.multi_reduction <minsi>, %reduce_min3A, %reduce_min3A_10 [1, 2] : vector<1x1x2048xi32> to vector<1xi32>
    %reduce_min3A_12 = vector.shape_cast %reduce_min3A_11 : vector<1xi32> to vector<1x1x1xi32>
    %reduce_min3A_13 = vector.extract %reduce_min3A_12[0, 0, 0] : i32 from vector<1x1x1xi32>
    %broadcast_in_dim3A_14 = vector.broadcast %reduce_min3A_13 : i32 to vector<1x1xi32>
    %eq3A_15 = vector.broadcast %broadcast_in_dim3A_14 : vector<1x1xi32> to vector<1x2048xi32>
    %eq3A_16 = arith.cmpi eq, %iota3A, %eq3A_15 : vector<1x2048xi32>
    %neg3A = arith.constant 0.000000e+00 : f32
    %neg3A_17 = arith.constant 0x7F800000 : f32
    %neg3A_18 = arith.subf %neg3A, %neg3A_17 : f32
    %broadcast_in_dim3A_19 = vector.broadcast %neg3A_18 : f32 to vector<1x2048xf32>
    %select_n3A_20 = arith.select %eq3A_16, %broadcast_in_dim3A_19, %get3A_3 : vector<1x2048xi1>, vector<1x2048xf32>
    %reduce_max3A_21 = vector.shape_cast %select_n3A_20 : vector<1x2048xf32> to vector<1x1x2048xf32>
    %reduce_max3A_22 = arith.constant dense<0xFF800000> : vector<1xf32>
    %reduce_max3A_23 = vector.multi_reduction <maximumf>, %reduce_max3A_21, %reduce_max3A_22 [1, 2] : vector<1x1x2048xf32> to vector<1xf32>
    %reduce_max3A_24 = vector.shape_cast %reduce_max3A_23 : vector<1xf32> to vector<1x1x1xf32>
    %reduce_max3A_25 = vector.extract %reduce_max3A_24[0, 0, 0] : f32 from vector<1x1x1xf32>
    %broadcast_in_dim3A_26 = vector.broadcast %reduce_max3A_25 : f32 to vector<1x1xf32>
    %eq3A_27 = vector.broadcast %broadcast_in_dim3A_26 : vector<1x1xf32> to vector<1x2048xf32>
    %eq3A_28 = arith.cmpf oeq, %select_n3A_20, %eq3A_27 : vector<1x2048xf32>
    %jit3A_29 = arith.constant 2048 : i32
    %broadcast_in_dim3A_30 = vector.broadcast %jit3A_29 : i32 to vector<1x2048xi32>
    %select_n3A_31 = arith.select %eq3A_28, %iota3A, %broadcast_in_dim3A_30 : vector<1x2048xi1>, vector<1x2048xi32>
    %reduce_min3A_32 = vector.shape_cast %select_n3A_31 : vector<1x2048xi32> to vector<1x1x2048xi32>
    %reduce_min3A_33 = arith.constant dense<2147483647> : vector<1xi32>
    %reduce_min3A_34 = vector.multi_reduction <minsi>, %reduce_min3A_32, %reduce_min3A_33 [1, 2] : vector<1x1x2048xi32> to vector<1xi32>
    %reduce_min3A_35 = vector.shape_cast %reduce_min3A_34 : vector<1xi32> to vector<1x1x1xi32>
    %reduce_min3A_36 = vector.extract %reduce_min3A_35[0, 0, 0] : i32 from vector<1x1x1xi32>
    %broadcast_in_dim3A_37 = vector.broadcast %reduce_min3A_36 : i32 to vector<1x1xi32>
    %iota3A_38 = tpu.iota {dimensions = array<i32: 0>} : vector<2x2048xi32>
    %iota3A_39 = tpu.iota {dimensions = array<i32: 1>} : vector<2x2048xi32>
    %eq3A_40 = arith.constant 0 : i32
    %eq3A_41 = vector.broadcast %eq3A_40 : i32 to vector<2x2048xi32>
    %eq3A_42 = arith.cmpi eq, %iota3A_38, %eq3A_41 : vector<2x2048xi32>
    %broadcast_in_dim3A_43 = vector.shape_cast %broadcast_in_dim3A_14 : vector<1x1xi32> to vector<1x1xi32>
    %broadcast_in_dim3A_44 = vector.broadcast %broadcast_in_dim3A_43 : vector<1x1xi32> to vector<2x2048xi32>
    %broadcast_in_dim3A_45 = vector.shape_cast %broadcast_in_dim3A_37 : vector<1x1xi32> to vector<1x1xi32>
    %broadcast_in_dim3A_46 = vector.broadcast %broadcast_in_dim3A_45 : vector<1x1xi32> to vector<2x2048xi32>
    %select_n3A_47 = arith.select %eq3A_42, %broadcast_in_dim3A_44, %broadcast_in_dim3A_46 : vector<2x2048xi1>, vector<2x2048xi32>
    %eq3A_48 = arith.cmpi eq, %iota3A_39, %select_n3A_47 : vector<2x2048xi32>
    %convert_element_type3A = arith.extui %eq3A_48 : vector<2x2048xi1> to vector<2x2048xi32>
    %convert_element_type3A_49 = arith.sitofp %convert_element_type3A : vector<2x2048xi32> to vector<2x2048xf32>
    %convert_element_type3A_50 = arith.truncf %convert_element_type3A_49 : vector<2x2048xf32> to vector<2x2048xbf16>
    %get3A_51 = arith.constant 0 : index
    %get3A_52 = arith.constant 0 : index
    %get3A_53 = arith.constant 0 : index
    %get3A_54 = vector.load %arg2[%get3A_51, %get3A_52, %get3A_53] : memref<1x2048x128xbf16, #tpu.memory_space<vmem>>, vector<1x2048x128xbf16>
    %get3A_55 = vector.shape_cast %get3A_54 : vector<1x2048x128xbf16> to vector<2048x128xbf16>
    %dot_general3A = arith.constant dense<0.000000e+00> : vector<2x128xf32>
    %dot_general3A_56 = tpu.matmul %convert_element_type3A_50, %get3A_55, %dot_general3A {dimension_numbers = #tpu.dot_dimension_numbers<[1], [0], [0], [1], [0, 0, 1, 1], [], []>, transpose_lhs_hint = false} : vector<2x2048xbf16>, vector<2048x128xbf16>, vector<2x128xf32> -> vector<2x128xf32>
    %get3A_57 = arith.constant 0 : index
    %get3A_58 = arith.constant 0 : index
    %get3A_59 = arith.constant 0 : index
    %get3A_60 = vector.load %arg3[%get3A_57, %get3A_58, %get3A_59] : memref<1x1x2048xf32, #tpu.memory_space<vmem>>, vector<1x1x2048xf32>
    %get3A_61 = vector.shape_cast %get3A_60 : vector<1x1x2048xf32> to vector<1x2048xf32>
    %eq3A_62 = vector.broadcast %broadcast_in_dim3A_14 : vector<1x1xi32> to vector<1x2048xi32>
    %eq3A_63 = arith.cmpi eq, %iota3A, %eq3A_62 : vector<1x2048xi32>
    %jit3A_64 = arith.constant 0.000000e+00 : f32
    %broadcast_in_dim3A_65 = vector.broadcast %jit3A_64 : f32 to vector<1x2048xf32>
    %select_n3A_66 = arith.select %eq3A_63, %get3A_61, %broadcast_in_dim3A_65 : vector<1x2048xi1>, vector<1x2048xf32>
    %reduce_sum3A = vector.shape_cast %select_n3A_66 : vector<1x2048xf32> to vector<1x1x2048xf32>
    %reduce_sum3A_67 = arith.constant dense<0.000000e+00> : vector<1xf32>
    %reduce_sum3A_68 = vector.multi_reduction <add>, %reduce_sum3A, %reduce_sum3A_67 [1, 2] : vector<1x1x2048xf32> to vector<1xf32>
    %reduce_sum3A_69 = vector.shape_cast %reduce_sum3A_68 : vector<1xf32> to vector<1x1x1xf32>
    %reduce_sum3A_70 = vector.extract %reduce_sum3A_69[0, 0, 0] : f32 from vector<1x1x1xf32>
    %broadcast_in_dim3A_71 = vector.broadcast %reduce_sum3A_70 : f32 to vector<1x1xf32>
    %eq3A_72 = vector.broadcast %broadcast_in_dim3A_37 : vector<1x1xi32> to vector<1x2048xi32>
    %eq3A_73 = arith.cmpi eq, %iota3A, %eq3A_72 : vector<1x2048xi32>
    %jit3A_74 = arith.constant 0.000000e+00 : f32
    %broadcast_in_dim3A_75 = vector.broadcast %jit3A_74 : f32 to vector<1x2048xf32>
    %select_n3A_76 = arith.select %eq3A_73, %get3A_61, %broadcast_in_dim3A_75 : vector<1x2048xi1>, vector<1x2048xf32>
    %reduce_sum3A_77 = vector.shape_cast %select_n3A_76 : vector<1x2048xf32> to vector<1x1x2048xf32>
    %reduce_sum3A_78 = arith.constant dense<0.000000e+00> : vector<1xf32>
    %reduce_sum3A_79 = vector.multi_reduction <add>, %reduce_sum3A_77, %reduce_sum3A_78 [1, 2] : vector<1x1x2048xf32> to vector<1xf32>
    %reduce_sum3A_80 = vector.shape_cast %reduce_sum3A_79 : vector<1xf32> to vector<1x1x1xf32>
    %reduce_sum3A_81 = vector.extract %reduce_sum3A_80[0, 0, 0] : f32 from vector<1x1x1xf32>
    %broadcast_in_dim3A_82 = vector.broadcast %reduce_sum3A_81 : f32 to vector<1x1xf32>
    %iota3A_83 = tpu.iota {dimensions = array<i32: 0>} : vector<2x1xi32>
    %eq3A_84 = arith.constant 0 : i32
    %eq3A_85 = vector.broadcast %eq3A_84 : i32 to vector<2x1xi32>
    %eq3A_86 = arith.cmpi eq, %iota3A_83, %eq3A_85 : vector<2x1xi32>
    %broadcast_in_dim3A_87 = vector.shape_cast %broadcast_in_dim3A_71 : vector<1x1xf32> to vector<1x1xf32>
    %broadcast_in_dim3A_88 = vector.broadcast %broadcast_in_dim3A_87 : vector<1x1xf32> to vector<2x1xf32>
    %broadcast_in_dim3A_89 = vector.shape_cast %broadcast_in_dim3A_82 : vector<1x1xf32> to vector<1x1xf32>
    %broadcast_in_dim3A_90 = vector.broadcast %broadcast_in_dim3A_89 : vector<1x1xf32> to vector<2x1xf32>
    %select_n3A_91 = arith.select %eq3A_86, %broadcast_in_dim3A_88, %broadcast_in_dim3A_90 : vector<2x1xi1>, vector<2x1xf32>
    %convert_element_type3A_92 = arith.truncf %dot_general3A_56 : vector<2x128xf32> to vector<2x128xbf16>
    %dot_general3A_93 = arith.constant dense<0.000000e+00> : vector<2x2048xf32>
    %dot_general3A_94 = tpu.matmul %convert_element_type3A_92, %get3A_55, %dot_general3A_93 {dimension_numbers = #tpu.dot_dimension_numbers<[1], [1], [0], [0], [0, 0, 1, 0], [], []>, transpose_lhs_hint = false} : vector<2x128xbf16>, vector<2048x128xbf16>, vector<2x2048xf32> -> vector<2x2048xf32>
    %add3A = vector.broadcast %select_n3A_91 : vector<2x1xf32> to vector<2x2048xf32>
    %add3A_95 = vector.broadcast %get3A_61 : vector<1x2048xf32> to vector<2x2048xf32>
    %add3A_96 = arith.addf %add3A, %add3A_95 : vector<2x2048xf32>
    %mul3A = arith.constant 2.000000e+00 : f32
    %mul3A_97 = vector.broadcast %mul3A : f32 to vector<2x2048xf32>
    %mul3A_98 = arith.mulf %mul3A_97, %dot_general3A_94 : vector<2x2048xf32>
    %sub3A = arith.subf %add3A_96, %mul3A_98 : vector<2x2048xf32>
    %max3A = arith.constant 0.000000e+00 : f32
    %max3A_99 = vector.broadcast %max3A : f32 to vector<2x2048xf32>
    %max3A_100 = arith.maximumf %sub3A, %max3A_99 : vector<2x2048xf32>
    %sqrt3A = math.sqrt %max3A_100 : vector<2x2048xf32>
    %div3A = arith.constant 11.3137083 : f32
    %div3A_101 = vector.broadcast %div3A : f32 to vector<2x2048xf32>
    %div3A_102 = arith.divf %sqrt3A, %div3A_101 : vector<2x2048xf32>
    %slice3A = vector.extract_strided_slice %div3A_102 {offsets = [1, 0], sizes = [1, 2048], strides = [1, 1]} : vector<2x2048xf32> to vector<1x2048xf32>
    %slice3A_103 = vector.extract_strided_slice %div3A_102 {offsets = [0, 0], sizes = [1, 2048], strides = [1, 1]} : vector<2x2048xf32> to vector<1x2048xf32>
    %lt3A = arith.cmpf olt, %slice3A, %slice3A_103 : vector<1x2048xf32>
    %convert_element_type3A_104 = arith.extui %lt3A : vector<1x2048xi1> to vector<1x2048xi32>
    %eq3A_105 = vector.broadcast %broadcast_in_dim3A_14 : vector<1x1xi32> to vector<1x2048xi32>
    %eq3A_106 = arith.cmpi eq, %iota3A, %eq3A_105 : vector<1x2048xi32>
    %jit3A_107 = arith.constant 0 : i32
    %broadcast_in_dim3A_108 = vector.broadcast %jit3A_107 : i32 to vector<1x2048xi32>
    %select_n3A_109 = arith.select %eq3A_106, %broadcast_in_dim3A_108, %convert_element_type3A_104 : vector<1x2048xi1>, vector<1x2048xi32>
    %eq3A_110 = vector.broadcast %broadcast_in_dim3A_37 : vector<1x1xi32> to vector<1x2048xi32>
    %eq3A_111 = arith.cmpi eq, %iota3A, %eq3A_110 : vector<1x2048xi32>
    %jit3A_112 = arith.constant 1 : i32
    %broadcast_in_dim3A_113 = vector.broadcast %jit3A_112 : i32 to vector<1x2048xi32>
    %select_n3A_114 = arith.select %eq3A_111, %broadcast_in_dim3A_113, %select_n3A_109 : vector<1x2048xi1>, vector<1x2048xi32>
    %get3A_115 = arith.constant 0 : index
    %get3A_116 = arith.constant 0 : index
    %get3A_117 = arith.constant 0 : index
    %get3A_118 = vector.load %arg5[%get3A_115, %get3A_116, %get3A_117] : memref<1x1x2048xf32, #tpu.memory_space<vmem>>, vector<1x1x2048xf32>
    %get3A_119 = vector.shape_cast %get3A_118 : vector<1x1x2048xf32> to vector<1x2048xf32>
    %exp3A = math.exp %get3A_119 : vector<1x2048xf32>
    %convert_element_type3A_120 = arith.sitofp %select_n3A_114 : vector<1x2048xi32> to vector<1x2048xf32>
    %sub3A_121 = arith.constant 1.000000e+00 : f32
    %sub3A_122 = vector.broadcast %sub3A_121 : f32 to vector<1x2048xf32>
    %sub3A_123 = arith.subf %sub3A_122, %convert_element_type3A_120 : vector<1x2048xf32>
    %mul3A_124 = arith.mulf %exp3A, %sub3A_123 : vector<1x2048xf32>
    %reduce_sum3A_125 = vector.shape_cast %mul3A_124 : vector<1x2048xf32> to vector<1x1x2048xf32>
    %reduce_sum3A_126 = arith.constant dense<0.000000e+00> : vector<1xf32>
    %reduce_sum3A_127 = vector.multi_reduction <add>, %reduce_sum3A_125, %reduce_sum3A_126 [1, 2] : vector<1x1x2048xf32> to vector<1xf32>
    %reduce_sum3A_128 = vector.shape_cast %reduce_sum3A_127 : vector<1xf32> to vector<1x1x1xf32>
    %reduce_sum3A_129 = vector.extract %reduce_sum3A_128[0, 0, 0] : f32 from vector<1x1x1xf32>
    %broadcast_in_dim3A_130 = vector.broadcast %reduce_sum3A_129 : f32 to vector<1x1xf32>
    %add3A_131 = arith.constant 9.99999997E-7 : f32
    %add3A_132 = vector.broadcast %add3A_131 : f32 to vector<1x1xf32>
    %add3A_133 = arith.addf %broadcast_in_dim3A_130, %add3A_132 : vector<1x1xf32>
    %mul3A_134 = arith.mulf %exp3A, %convert_element_type3A_120 : vector<1x2048xf32>
    %reduce_sum3A_135 = vector.shape_cast %mul3A_134 : vector<1x2048xf32> to vector<1x1x2048xf32>
    %reduce_sum3A_136 = arith.constant dense<0.000000e+00> : vector<1xf32>
    %reduce_sum3A_137 = vector.multi_reduction <add>, %reduce_sum3A_135, %reduce_sum3A_136 [1, 2] : vector<1x1x2048xf32> to vector<1xf32>
    %reduce_sum3A_138 = vector.shape_cast %reduce_sum3A_137 : vector<1xf32> to vector<1x1x1xf32>
    %reduce_sum3A_139 = vector.extract %reduce_sum3A_138[0, 0, 0] : f32 from vector<1x1x1xf32>
    %broadcast_in_dim3A_140 = vector.broadcast %reduce_sum3A_139 : f32 to vector<1x1xf32>
    %add3A_141 = arith.constant 9.99999997E-7 : f32
    %add3A_142 = vector.broadcast %add3A_141 : f32 to vector<1x1xf32>
    %add3A_143 = arith.addf %broadcast_in_dim3A_140, %add3A_142 : vector<1x1xf32>
    %eq3A_144 = arith.constant 1 : i32
    %eq3A_145 = vector.broadcast %eq3A_144 : i32 to vector<1x2048xi32>
    %eq3A_146 = arith.cmpi eq, %select_n3A_114, %eq3A_145 : vector<1x2048xi32>
    %broadcast_in_dim3A_147 = vector.shape_cast %add3A_143 : vector<1x1xf32> to vector<1x1xf32>
    %broadcast_in_dim3A_148 = vector.broadcast %broadcast_in_dim3A_147 : vector<1x1xf32> to vector<1x2048xf32>
    %broadcast_in_dim3A_149 = vector.shape_cast %add3A_133 : vector<1x1xf32> to vector<1x1xf32>
    %broadcast_in_dim3A_150 = vector.broadcast %broadcast_in_dim3A_149 : vector<1x1xf32> to vector<1x2048xf32>
    %select_n3A_151 = arith.select %eq3A_146, %broadcast_in_dim3A_148, %broadcast_in_dim3A_150 : vector<1x2048xi1>, vector<1x2048xf32>
    %div3A_152 = arith.divf %exp3A, %select_n3A_151 : vector<1x2048xf32>
    %mul3A_153 = arith.mulf %div3A_152, %sub3A_123 : vector<1x2048xf32>
    %mul3A_154 = arith.mulf %div3A_152, %convert_element_type3A_120 : vector<1x2048xf32>
    %concatenate3A = tpu.concatenate %mul3A_153, %mul3A_154 in 0 : vector<1x2048xf32>, vector<1x2048xf32> -> vector<2x2048xf32>
    %get3A_155 = arith.constant 0 : index
    %get3A_156 = arith.constant 0 : index
    %get3A_157 = arith.constant 0 : index
    %get3A_158 = vector.load %arg1[%get3A_155, %get3A_156, %get3A_157] : memref<1x2048x128xf32, #tpu.memory_space<vmem>>, vector<1x2048x128xf32>
    %get3A_159 = vector.shape_cast %get3A_158 : vector<1x2048x128xf32> to vector<2048x128xf32>
    %dot_general3A_160 = arith.constant dense<0.000000e+00> : vector<2x128xf32>
    %dot_general3A_161 = tpu.matmul %concatenate3A, %get3A_159, %dot_general3A_160 {dimension_numbers = #tpu.dot_dimension_numbers<[1], [0], [0], [1], [0, 0, 1, 1], [], []>, precision = #tpu.contract_precision<fp32>, transpose_lhs_hint = false} : vector<2x2048xf32>, vector<2048x128xf32>, vector<2x128xf32> -> vector<2x128xf32>
    %swap3A = arith.constant 0 : index
    %swap3A_162 = arith.constant 0 : index
    %swap3A_163 = arith.constant 0 : index
    %swap3A_164 = vector.load %arg6[%swap3A, %swap3A_162, %swap3A_163] : memref<1x2x128xf32, #tpu.memory_space<vmem>>, vector<1x2x128xf32>
    %swap3A_165 = vector.shape_cast %swap3A_164 : vector<1x2x128xf32> to vector<2x128xf32>
    %swap3A_166 = vector.shape_cast %dot_general3A_161 : vector<2x128xf32> to vector<1x2x128xf32>
    tpu.vector_store %arg6[%swap3A, %swap3A_162, %swap3A_163], %swap3A_166 {strides = array<i32>} : memref<1x2x128xf32, #tpu.memory_space<vmem>>, vector<1x2x128xf32>,
    %swap3A_167 = arith.constant 0 : index
    %swap3A_168 = arith.constant 0 : index
    %swap3A_169 = arith.constant 0 : index
    %swap3A_170 = vector.load %arg7[%swap3A_167, %swap3A_168, %swap3A_169] : memref<1x1x2048xi32, #tpu.memory_space<vmem>>, vector<1x1x2048xi32>
    %swap3A_171 = vector.shape_cast %swap3A_170 : vector<1x1x2048xi32> to vector<1x2048xi32>
    %swap3A_172 = vector.shape_cast %select_n3A_114 : vector<1x2048xi32> to vector<1x1x2048xi32>
    tpu.vector_store %arg7[%swap3A_167, %swap3A_168, %swap3A_169], %swap3A_172 {strides = array<i32>} : memref<1x1x2048xi32, #tpu.memory_space<vmem>>, vector<1x1x2048xi32>,
    %swap3A_173 = arith.constant 0 : index
    %swap3A_174 = arith.constant 0 : index
    %swap3A_175 = arith.constant 0 : index
    %swap3A_176 = vector.load %arg8[%swap3A_173, %swap3A_174, %swap3A_175] : memref<1x1x2048xf32, #tpu.memory_space<vmem>>, vector<1x1x2048xf32>
    %swap3A_177 = vector.shape_cast %swap3A_176 : vector<1x1x2048xf32> to vector<1x2048xf32>
    %swap3A_178 = vector.shape_cast %div3A_152 : vector<1x2048xf32> to vector<1x1x2048xf32>
    tpu.vector_store %arg8[%swap3A_173, %swap3A_174, %swap3A_175], %swap3A_178 {strides = array<i32>} : memref<1x1x2048xf32, #tpu.memory_space<vmem>>, vector<1x1x2048xf32>,
    return
  }
  func.func @transform_0(%arg0: i32) -> (i32, i32, i32) {
    %c0_i32 = arith.constant 0 : i32
    %c0_i32_0 = arith.constant 0 : i32
    %c0_i32_1 = arith.constant 0 : i32
    return %arg0, %c0_i32, %c0_i32_0 : i32, i32, i32
  }
  func.func @transform_1(%arg0: i32) -> (i32, i32, i32) {
    %c0_i32 = arith.constant 0 : i32
    %c0_i32_0 = arith.constant 0 : i32
    %c0_i32_1 = arith.constant 0 : i32
    return %arg0, %c0_i32, %c0_i32_0 : i32, i32, i32
  }
  func.func @transform_2(%arg0: i32) -> (i32, i32, i32) {
    %c0_i32 = arith.constant 0 : i32
    %c0_i32_0 = arith.constant 0 : i32
    %c0_i32_1 = arith.constant 0 : i32
    return %arg0, %c0_i32, %c0_i32_0 : i32, i32, i32
  }
  func.func @transform_3(%arg0: i32) -> (i32, i32, i32) {
    %c0_i32 = arith.constant 0 : i32
    %c0_i32_0 = arith.constant 0 : i32
    %c0_i32_1 = arith.constant 0 : i32
    return %arg0, %c0_i32, %c0_i32_0 : i32, i32, i32
  }
  func.func @transform_4(%arg0: i32) -> (i32, i32, i32) {
    %c0_i32 = arith.constant 0 : i32
    %c0_i32_0 = arith.constant 0 : i32
    %c0_i32_1 = arith.constant 0 : i32
    return %arg0, %c0_i32, %c0_i32_0 : i32, i32, i32
  }
  func.func @transform_5(%arg0: i32) -> (i32, i32, i32) {
    %c0_i32 = arith.constant 0 : i32
    %c0_i32_0 = arith.constant 0 : i32
    %c0_i32_1 = arith.constant 0 : i32
    return %arg0, %c0_i32, %c0_i32_0 : i32, i32, i32
  }
  func.func @transform_6(%arg0: i32) -> (i32, i32, i32) {
    %c0_i32 = arith.constant 0 : i32
    %c0_i32_0 = arith.constant 0 : i32
    %c0_i32_1 = arith.constant 0 : i32
    return %arg0, %c0_i32, %c0_i32_0 : i32, i32, i32
  }
  func.func @transform_7(%arg0: i32) -> (i32, i32, i32) {
    %c0_i32 = arith.constant 0 : i32
    %c0_i32_0 = arith.constant 0 : i32
    %c0_i32_1 = arith.constant 0 : i32
    return %arg0, %c0_i32, %c0_i32_0 : i32, i32, i32
  }
}

</mosaic_0001>

<sc_bundles>
// kernel: kernel.6.cloned.1.call-start
scs
__scs_entry_jumppad:
0x0: {  	(pc) =	sbr.rel $0x88, $3  }
0x1: {  	(tag) =	ssettag $0x0;
	lr =	simm.s32 $0x1  }
0x2: {  	[smem:$0x3F99] =	sst lr;
	_ =	strace $0xD0000000  }
0x3: {  	_ = 	snop  }
0x4: {  	_ = 	snop  }
0x5: {  	_ = 	snop  }
0x6: {  	_ = 	snop  }
0x7: {  	_ = 	snop  }
__scs_overlays_trampoline_lowered:
0x8: {  	[smem:$0x3FA8] =	sst s0  }
0x9: {  	[smem:$0x3FA9] =	sst s1  }
0xa: {  	[smem:$0x3FAA] =	sst s2  }
0xb: {  	[smem:$0x3FAB] =	sst s3  }
0xc: {  	[smem:$0x3FAC] =	sst s4  }
0xd: {  	[smem:$0x3FAD] =	sst s5  }
0xe: {  	[smem:$0x3FAE] =	sst s6  }
0xf: {  	[smem:$0x3FAF] =	sst s7  }
0x10: {  	[smem:$0x3FB0] =	sst s8  }
0x11: {  	[smem:$0x3FB1] =	sst s9;
	s0 =	simm.s32 @!p0 $0x0  }
0x12: {  	s1 =	sld [smem:$0x3F97];
	s0 =	simm.s32 @p0 $0x1  }
0x13: {  	[smem:$0x3FB2] =	sst s0;
	s0 =	simm.s32 @!p1 $0x0  }
0x14: {  	s2 =	sld [smem:$0x3F96];
	s0 =	simm.s32 @p1 $0x1  }
0x15: {  	[smem:$0x3FB3] =	sst s0;
	s0 =	simm.s32 @!p2 $0x0  }
0x16: {  	s3 =	sld [smem:$0x3FDB];
	s0 =	simm.s32 @p2 $0x1  }
0x17: {  	s4 =	simm.s32 $0x1BF5;
	[smem:$0x3FB5] =	sst s0  }
0x18: {  	s0 =	sld [smem:$0x3F98];
	_ =	swait.ge [sflag:s4], $0x0  }
0x19: {  	s7 =	sld [smem:$0x3F99]  }
0x1a: {  	s8 =	sadd.s32 $0xFFFFE003, lr  }
0x1b: {  	s9 =	sadd.s32 $0xFFFFFEF7, lr;
	s5 =	simm.s32 $0xFFFFFFFF;
	p2 =	slt.u32 s8, $0xFFFFF086  }
0x1c: {  	p1 =	slt.u32 s9, $0xF7A;
	s5 =	simm.s32 @!p2 $0x0  }
0x1d: {  	s5 =	simm.s32 @p1 $0x1;
	p0 =	seq.s32 s7, s2  }
0x1e: {  	s7 =	smul.u32 @!p0 $0xF7A, s2;
	p2 =	seq.s32 @!p0 s5, $0x0  }
0x1f: {  	s9 =	smul.u32 $0xF7A, s1;
	s8 =	simm.s32 @!p0 $0x1BF5;
	p2 =	por !p2, p0  }
0x20: {  	[sflag:s8] =	ssyncset.s32 @!p0 $0xFFFFF086;
	s6 =	sadd.s32 @!p0 s3, s7;
	s7 =	simm.s32 @!p0 $0x108  }
0x21: {  	s3 =	sadd.s32 s3, s9;
	s6 =	sadd.s32 @!p0 $0x88, s6;
	s7 =	simm.s32 @p2 $0x1082  }
0x22: {  	[simem:s7], [sflag:s8] =	dma.local @!p0 [hbm:s6], $0xF7A  }
0x23: {  	s9 =	sor.u32 $0xD0000000, s2;
	s6 =	simm.s32 $0x108;
	_ =	swait.ge @!p0 [sflag:s8], $0x0  }
0x24: {  	s3 =	sadd.s32 $0x88, s3;
	s6 =	simm.s32 @!p1 $0x1082;
	[sflag:s4] =	ssyncset.s32 $0xFFFFF086  }
0x25: {  	[simem:s6], [sflag:s4] =	dma.local [hbm:s3], $0xF7A  }
0x26: {  	[smem:$0x3F99] =	sst s1;
	(tag) =	ssettag s2;
	_ =	strace s9  }
0x27: {  	s1 =	sld [smem:$0x3FA9]  }
0x28: {  	s2 =	sld [smem:$0x3FAA]  }
0x29: {  	s4 =	sld [smem:$0x3FAC]  }
0x2a: {  	p0 =	seq.s32 s5, $0x0;
	s5 =	sld [smem:$0x3FAD]  }
0x2b: {  	s6 =	sld [smem:$0x3FAE]  }
0x2c: {  	s7 =	sld [smem:$0x3FAF]  }
0x2d: {  	s3 =	simm.s32 $0x108;
	s8 =	sld [smem:$0x3FB0]  }
0x2e: {  	s3 =	simm.s32 @!p0 $0x1082;
	s9 =	sld [smem:$0x3FB1]  }
0x2f: {  	lr =	sadd.s32 s0, s3;
	s0 =	sld [smem:$0x3FA8]  }
0x30: {  	s3 =	sld [smem:$0x3FAB]  }
0x31: {  	[smem:$0x3FB4] =	sst s10  }
0x32: {  	s10 =	sld [smem:$0x3FB2];
	_ =	sdelay $0x3  }
0x33: {  	p0 =	seq.s32 s10, $0x1;
	s10 =	sld [smem:$0x3FB4];
	_ =	sdelay $0x3  }
0x34: {  	[smem:$0x3FB4] =	sst s10  }
0x35: {  	s10 =	sld [smem:$0x3FB3];
	_ =	sdelay $0x3  }
0x36: {  	p1 =	seq.s32 s10, $0x1;
	s10 =	sld [smem:$0x3FB4];
	_ =	sdelay $0x3  }
0x37: {  	[smem:$0x3FB4] =	sst s10  }
0x38: {  	s10 =	sld [smem:$0x3FB5]  }
0x39: {  	_ = 	snop;
	(pc) =	sbr.ind lr, $3  }
0x3a: {  	_ = 	snop  }
0x3b: {  	_ = 	snop  }
0x3c: {  	p2 =	seq.s32 s10, $0x1;
	s10 =	sld [smem:$0x3FB4]  }
0x3d: {  	_ =	shalt  }
0x3e: {  	_ =	shalt  }
0x3f: {  	_ =	shalt  }
0x40: {  	_ =	shalt  }
0x41: {  	_ =	shalt  }
0x42: {  	_ =	shalt  }
0x43: {  	_ =	shalt  }
0x44: {  	_ =	shalt  }
0x45: {  	_ =	shalt  }
0x46: {  	_ =	shalt  }
0x47: {  	_ =	shalt  }
0x48: {  	_ =	shalt  }
0x49: {  	_ =	shalt  }
0x4a: {  	_ =	shalt  }
0x4b: {  	_ =	shalt  }
0x4c: {  	_ =	shalt  }
0x4d: {  	_ =	shalt  }
0x4e: {  	_ =	shalt  }
0x4f: {  	_ =	shalt  }
0x50: {  	_ =	shalt  }
0x51: {  	_ =	shalt  }
0x52: {  	_ =	shalt  }
0x53: {  	_ =	shalt  }
0x54: {  	_ =	shalt  }
0x55: {  	_ =	shalt  }
0x56: {  	_ =	shalt  }
0x57: {  	_ =	shalt  }
0x58: {  	_ =	shalt  }
0x59: {  	_ =	shalt  }
0x5a: {  	_ =	shalt  }
0x5b: {  	_ =	shalt  }
0x5c: {  	_ =	shalt  }
0x5d: {  	_ =	shalt  }
0x5e: {  	_ =	shalt  }
0x5f: {  	_ =	shalt  }
0x60: {  	_ =	shalt  }
0x61: {  	_ =	shalt  }
0x62: {  	_ =	shalt  }
0x63: {  	_ =	shalt  }
0x64: {  	_ =	shalt  }
0x65: {  	_ =	shalt  }
0x66: {  	_ =	shalt  }
0x67: {  	_ =	shalt  }
0x68: {  	_ =	shalt  }
0x69: {  	_ =	shalt  }
0x6a: {  	_ =	shalt  }
0x6b: {  	_ =	shalt  }
0x6c: {  	_ =	shalt  }
0x6d: {  	_ =	shalt  }
0x6e: {  	_ =	shalt  }
0x6f: {  	_ =	shalt  }
0x70: {  	_ =	shalt  }
0x71: {  	_ =	shalt  }
0x72: {  	_ =	shalt  }
0x73: {  	_ =	shalt  }
0x74: {  	_ =	shalt  }
0x75: {  	_ =	shalt  }
0x76: {  	_ =	shalt  }
0x77: {  	_ =	shalt  }
0x78: {  	_ =	shalt  }
0x79: {  	_ =	shalt  }
0x7a: {  	_ =	shalt  }
0x7b: {  	_ =	shalt  }
0x7c: {  	_ =	shalt  }
0x7d: {  	_ =	shalt  }
0x7e: {  	_ =	shalt  }
0x7f: {  	_ =	shalt  }
0x80: {  	_ =	shalt  }
0x81: {  	_ =	shalt  }
0x82: {  	_ =	shalt  }
0x83: {  	_ =	shalt  }
0x84: {  	_ =	shalt  }
0x85: {  	_ =	shalt  }
0x86: {  	_ =	shalt  }
0x87: {  	_ =	shalt  }
.Lfunc_end0:
.L_simem_size_0:
called_computation_lowered:
.L_overlay_start_0:
0x88: {  	s2 =	sld [smem:$0x3FD9]  }
0x89: {  	s3 =	sld [smem:$0x3FFE];
	_ =	sdelay $0x1  }
0x8a: {  	s1 =	srdreg.scid  }
0x8b: {  	s0 =	sand.u32 $0x1, s1  }
0x8c: {  	s14 =	sshll.u32 s0, $0xA;
	s2 =	sadd.s32 s3, s2  }
0x8d: {  	s2 =	sadd.s32 s2, s14  }
0x8e: {  	[smem:$0x3FC0] =	sst s2  }
0x8f: {  	_ = 	snop  }
0x90: {  	s2 =	sld [smem:$0x3FD0];
	_ =	sdelay $0x2  }
0x91: {  	s4 =	simm.s32 $0xA;
	s5 =	simm.s32 $0x10;
	s15 =	sld [smem:$0x3FC7]  }
0x92: {  	[smem:s5], [sflag:s4] =	dma.local [hbm:s2], $0x1  }
0x93: {  	_ =	swait.eq [sflag:s4], $0x1  }
0x94: {  	[sflag:s4] =	ssyncset.done $0x0  }
0x95: {  	s16 =	sld [smem:$0x11];
	[sflag:s4] =	ssyncadd.s32 $0xFFFFFFFF  }
0x96: {  	s17 =	sld [smem:$0x12];
	(tm) =	ssettm $0x1  }
0x97: {  	s18 =	sld [smem:$0x3FFB];
	_ =	sdelay $0x3  }
0x98: {  	_ =	strace s18  }
0x99: {  	s5 =	sld [smem:$0x3FFC];
	_ =	sdelay $0x3  }
0x9a: {  	_ =	strace s5  }
0x9b: {  	s5 =	sld [smem:$0x3FFD];
	_ =	sdelay $0x3  }
0x9c: {  	_ =	strace s5  }
0x9d: {  	_ =	strace $0x8FFFFFFF  }
0x9e: {  	s19 =	sld [smem:$0x3FDB];
	_ =	sdelay $0x1  }
0x9f: {  	s6 =	simm.s32 $_scs_section_size  }
0xa0: {  	s7 =	simm.s32 $_size__tile_overlayer_lowered;
	s8 =	simm.s32 $_tile_overlayer_lowered  }
0xa1: {  	s22 =	simm.s32 $0x1BFF;
	s21 =	sshll.u32 s8, $0x1;
	s5 =	sadd.s32 s6, s19  }
0xa2: {  	s9 =	simm.s32 $0x0;
	s20 =	sshll.u32 s7, $0x1;
	s7 =	sadd.s32 s21, s5  }
0xa3: {  	[timem:s9], [sflag:s22] =	dma.local [hbm:s7], s20  }
0xa4: {  	_ =	swait.ge [sflag:s22], s20  }
0xa5: {  	s6 =	ssub.s32 $0x0, s20;
	[sflag:s22] =	ssyncset.done $0x0  }
0xa6: {  	[sflag:s22] =	ssyncadd.s32 s6;
	_ =	sdelay $0x1  }
0xa7: {  	s23 =	simm.s32 $0x1B8B  }
0xa8: {  	_ =	swait.ge [sflag:s23], $0x1  }
0xa9: {  	[sflag:s23] =	ssyncset.done $0x0  }
0xaa: {  	s25 =	simm.s32 $0x1B8E;
	s24 =	sld [smem:$0x3FFE];
	[sflag:s23] =	ssyncadd.s32 $0xFFFFFFFF  }
0xab: {  	s26 =	simm.s32 $execute0_lowered;
	[smem:$0x3FD2] =	sst s25  }
0xac: {  	s7 =	sshll.u32 s26, $0x1;
	_ =	strace $0x80000046;
	[dreg:$0x1] =	wrdreg $0xFFFFFFFF  }
0xad: {  	s28 =	simm.s32 $_size_execute0_lowered;
	s5 =	sadd.s32 s5, s7;
	[dreg:$0x0] =	wrdreg $0x0  }
0xae: {  	s7 =	sshll.u32 s28, $0x1;
	[dreg:$0x2] =	wrdreg s5  }
0xaf: {  	[dreg:$0x3] =	wrdreg s7  }
0xb0: {  	[dreg:$0x4] =	wrdreg $0xC0  }
0xb1: {  	_ =	task [dreg:s9], $0x5FFFF  }
0xb2: {  	[dreg:$0x1] =	wrdreg $0xFFFFFFFF  }
0xb3: {  	[dreg:$0x0] =	wrdreg $0x60  }
0xb4: {  	[dreg:$0x2] =	wrdreg s16  }
0xb5: {  	[dreg:$0x3] =	wrdreg s24  }
0xb6: {  	[dreg:$0x4] =	wrdreg s15  }
0xb7: {  	[dreg:$0x5] =	wrdreg s17  }
0xb8: {  	[dreg:$0x6] =	wrdreg $0x9  }
0xb9: {  	_ =	task.clear_ibuf [dreg:s9], $0x7FFFF;
	_ =	strace $0x90000046  }
0xba: {  	s29 =	simm.s32 $0x9;
	_ =	strace $0x80000048  }
0xbb: {  	_ =	swait.ge [sflag:s29], $0x1  }
0xbc: {  	[sflag:s29] =	ssyncadd.s32 $0xFFFFFFFF  }
0xbd: {  	_ =	strace $0x90000048  }
0xbe: {  	_ =	sfence  }
0xbf: {  	s30 =	sld [smem:$0x0];
	_ =	sdelay $0x2  }
0xc0: {  	s31 =	sshll.u32 s1, $0xD;
	s1 =	sshrl.u32 s1, $0x2  }
0xc1: {  	s3 =	sand.u32 $0x4000, s31;
	s1 =	sadd.s32 s1, s30  }
0xc2: {  	s0 =	sor.u32 s3, s0;
	s1 =	sshll.u32 s1, $0x11  }
0xc3: {  	s0 =	sor.u32 s1, s0  }
0xc4: {  	s0 =	sadd.s32 $0x8F2B, s0  }
0xc5: {  	[sflag:s0] =	ssyncadd.remote.s32 $0x1  }
0xc6: {  	_ =	sfence.sel $0xFFFF  }
0xc7: {  	[dreg:$0x0] =	wrdreg $0xFFFFFFFF;
	(pc) =	sbr.abs _section_cstart, $3  }
0xc8: {  	[dreg:$0x1] =	wrdreg $0xFFFFFFFF  }
0xc9: {  	_ =	task.clear_ibuf [dreg:s9], $0x2FFFF;
	_ =	strace $0x9FFFFFFF  }
0xca: {  	(tm) =	ssettm $0x7FFFFFFF  }
0xcb: {  	_ =	shalt  }
tec
execute0_lowered:
.L_overlay_start_1:
0x0: {  	(tag) =	ssettag $0x1  }
0x1: {  	s5 =	rddreg [dreg:$0x0]  }
0x2: {  	s3 =	rddreg [dreg:$0x1]  }
0x3: {  	s6 =	rddreg [dreg:$0x2]  }
0x4: {  	s8 =	rddreg [dreg:$0x3]  }
0x5: {  	s0 =	rddreg [dreg:$0x4];
	s2 =	simm.s32 $0x0  }
0x6: {  	s1 =	stileid.u32;
	s4 =	srdreg.scid;
	s12 =	simm.s32 $0x200  }
0x7: {  	s13 =	simm.s32 $0x1;
	s14 =	simm.s32 $0xA00;
	s15 =	simm.s32 $0x1200  }
0x8: {  	s16 =	simm.s32 $0x1400;
	s17 =	simm.s32 $0x1600;
	[smem:$0x7FF] =	sst s2  }
0x9: {  	s7 =	sshll.u32 s1, $0x3;
	s4 =	sand.u32 $0x1, s4;
	s9 =	sshll.u32 s1, $0x7  }
0xa: {  	_ =	strace $0x80000047;
	s10 =	sshll.u32 s4, $0x6;
	s4 =	ssub.s32 $0x2, s4  }
0xb: {  	s7 =	sand.u32 $0x70, s7;
	s9 =	sor.u32 s10, s9;
	s31 =	sshrl.u32 s4, $0x1  }
0xc: {  	s7 =	sadd.s32 s7, s3;
	s11 =	sadd.s32 s9, s3;
	s10 =	ssub.s32 s4, s31  }
0xd: {  	s3 =	sadd.s32 $0x1400, s7;
	s4 =	sadd.s32 $0xC00, s7;
	s5 =	sadd.s32 s5, s9  }
0xe: {  	s6 =	sadd.s32 s6, s9;
	s8 =	sadd.s32 s8, s9;
	s7 =	sadd.s32 $0x1C00, s11  }
0xf: {  	s9 =	smax.u32 s10, $0x1;
	s10 =	simm.s32 $0x80;
	s11 =	simm.s32 $0x400  }
.LBB2_1:
0x10: {  	[tilespmem:s12], [sflag:$0x1] =	stream.strided.gather [hbm4b:s3+s10], $0x800, s11, s10, $0x38;
	[tilespmem:$0x1800] =	vst v63  }
0x11: {  	_ =	swait.ge [sflag:s13], $0x800  }
0x12: {  	[sflag:s13] =	ssyncset.done $0x0  }
0x13: {  	[sflag:s13] =	ssyncadd.s32 $0xFFFFF800  }
0x14: {  	[tilespmem:s14], [sflag:$0x1] =	stream.strided.gather [hbm4b:s4+s10], $0x800, s11, s10, $0x38;
	[tilespmem:$0x1800] =	vst v63  }
0x15: {  	_ =	swait.ge [sflag:s13], $0x800  }
0x16: {  	[sflag:s13] =	ssyncset.done $0x0  }
0x17: {  	[sflag:s13] =	ssyncadd.s32 $0xFFFFF800  }
0x18: {  	[tilespmem:s2], [sflag:$0x1] =	stream.linear.gather [hbm4b:s5+s2], $0x200, $0x38;
	[tilespmem:$0x1800] =	vst v63  }
0x19: {  	_ =	swait.ge [sflag:s13], $0x200  }
0x1a: {  	[sflag:s13] =	ssyncset.done $0x0  }
0x1b: {  	[sflag:s13] =	ssyncadd.s32 $0xFFFFFE00  }
0x1c: {  	[tilespmem:s15], [sflag:$0x1] =	stream.linear.gather [hbm4b:s6+s2], $0x200, $0x38;
	[tilespmem:$0x1800] =	vst v63  }
0x1d: {  	_ =	swait.ge [sflag:s13], $0x200  }
0x1e: {  	[sflag:s13] =	ssyncset.done $0x0  }
0x1f: {  	[sflag:s13] =	ssyncadd.s32 $0xFFFFFE00  }
0x20: {  	v0 =	vld [tilespmem:$0x0];
	_ =	sdelay $0x7  }
0x21: {  	v1 =	vld.idx.msk [tilespmem:v0+s12+$0x0], $0xffff;
	_ =	sdelay $0x3  }
0x22: {  	v62 =	vld [tilespmem:$0x1200]  }
0x23: {  	v2 =	vld [tilespmem:$0x10];
	[tilespmem:$0x1400] =	vst v1  }
0x24: {  	v0 =	vld.idx.msk [tilespmem:v0+s14+$0x0], $0xffff;
	_ =	sdelay $0x4  }
0x25: {  	v0 =	vmul.f32 v62, v0;
	_ =	sdelay $0x1  }
0x26: {  	[tilespmem:$0x1600] =	vst v0  }
0x27: {  	v0 =	vld.idx.msk [tilespmem:v2+s12+$0x0], $0xffff;
	_ =	sdelay $0x3  }
0x28: {  	v63 =	vld [tilespmem:$0x1210]  }
0x29: {  	v4 =	vld [tilespmem:$0x20];
	[tilespmem:$0x1410] =	vst v0  }
0x2a: {  	v0 =	vld.idx.msk [tilespmem:v2+s14+$0x0], $0xffff;
	_ =	sdelay $0x4  }
0x2b: {  	v0 =	vmul.f32 v63, v0;
	_ =	sdelay $0x1  }
0x2c: {  	[tilespmem:$0x1610] =	vst v0  }
0x2d: {  	v0 =	vld.idx.msk [tilespmem:v4+s12+$0x0], $0xffff;
	_ =	sdelay $0x3  }
0x2e: {  	v5 =	vld [tilespmem:$0x1220]  }
0x2f: {  	v6 =	vld [tilespmem:$0x30];
	[tilespmem:$0x1420] =	vst v0  }
0x30: {  	v0 =	vld.idx.msk [tilespmem:v4+s14+$0x0], $0xffff;
	_ =	sdelay $0x4  }
0x31: {  	v0 =	vmul.f32 v5, v0;
	_ =	sdelay $0x1  }
0x32: {  	[tilespmem:$0x1620] =	vst v0  }
0x33: {  	v0 =	vld.idx.msk [tilespmem:v6+s12+$0x0], $0xffff;
	_ =	sdelay $0x3  }
0x34: {  	v7 =	vld [tilespmem:$0x1230]  }
0x35: {  	v8 =	vld [tilespmem:$0x40];
	[tilespmem:$0x1430] =	vst v0  }
0x36: {  	v0 =	vld.idx.msk [tilespmem:v6+s14+$0x0], $0xffff;
	_ =	sdelay $0x4  }
0x37: {  	v0 =	vmul.f32 v7, v0;
	_ =	sdelay $0x1  }
0x38: {  	[tilespmem:$0x1630] =	vst v0  }
0x39: {  	v0 =	vld.idx.msk [tilespmem:v8+s12+$0x0], $0xffff;
	_ =	sdelay $0x3  }
0x3a: {  	v9 =	vld [tilespmem:$0x1240]  }
0x3b: {  	v10 =	vld [tilespmem:$0x50];
	[tilespmem:$0x1440] =	vst v0  }
0x3c: {  	v0 =	vld.idx.msk [tilespmem:v8+s14+$0x0], $0xffff;
	_ =	sdelay $0x4  }
0x3d: {  	v0 =	vmul.f32 v9, v0;
	_ =	sdelay $0x1  }
0x3e: {  	[tilespmem:$0x1640] =	vst v0  }
0x3f: {  	v0 =	vld.idx.msk [tilespmem:v10+s12+$0x0], $0xffff;
	_ =	sdelay $0x3  }
0x40: {  	v11 =	vld [tilespmem:$0x1250]  }
0x41: {  	v12 =	vld [tilespmem:$0x60];
	[tilespmem:$0x1450] =	vst v0  }
0x42: {  	v0 =	vld.idx.msk [tilespmem:v10+s14+$0x0], $0xffff;
	_ =	sdelay $0x4  }
0x43: {  	v0 =	vmul.f32 v11, v0;
	_ =	sdelay $0x1  }
0x44: {  	[tilespmem:$0x1650] =	vst v0  }
0x45: {  	v0 =	vld.idx.msk [tilespmem:v12+s12+$0x0], $0xffff;
	_ =	sdelay $0x3  }
0x46: {  	v13 =	vld [tilespmem:$0x1260]  }
0x47: {  	v14 =	vld [tilespmem:$0x70];
	[tilespmem:$0x1460] =	vst v0  }
0x48: {  	v0 =	vld.idx.msk [tilespmem:v12+s14+$0x0], $0xffff;
	_ =	sdelay $0x4  }
0x49: {  	v0 =	vmul.f32 v13, v0;
	_ =	sdelay $0x1  }
0x4a: {  	[tilespmem:$0x1660] =	vst v0  }
0x4b: {  	v0 =	vld.idx.msk [tilespmem:v14+s12+$0x0], $0xffff;
	_ =	sdelay $0x3  }
0x4c: {  	v15 =	vld [tilespmem:$0x1270]  }
0x4d: {  	v16 =	vld [tilespmem:$0x80];
	[tilespmem:$0x1470] =	vst v0  }
0x4e: {  	v0 =	vld.idx.msk [tilespmem:v14+s14+$0x0], $0xffff;
	_ =	sdelay $0x4  }
0x4f: {  	v0 =	vmul.f32 v15, v0;
	_ =	sdelay $0x1  }
0x50: {  	[tilespmem:$0x1670] =	vst v0  }
0x51: {  	v0 =	vld.idx.msk [tilespmem:v16+s12+$0x0], $0xffff;
	_ =	sdelay $0x3  }
0x52: {  	v17 =	vld [tilespmem:$0x1280]  }
0x53: {  	v18 =	vld [tilespmem:$0x90];
	[tilespmem:$0x1480] =	vst v0  }
0x54: {  	v0 =	vld.idx.msk [tilespmem:v16+s14+$0x0], $0xffff;
	_ =	sdelay $0x4  }
0x55: {  	v0 =	vmul.f32 v17, v0;
	_ =	sdelay $0x1  }
0x56: {  	[tilespmem:$0x1680] =	vst v0  }
0x57: {  	v0 =	vld.idx.msk [tilespmem:v18+s12+$0x0], $0xffff;
	_ =	sdelay $0x3  }
0x58: {  	v19 =	vld [tilespmem:$0x1290]  }
0x59: {  	v20 =	vld [tilespmem:$0xA0];
	[tilespmem:$0x1490] =	vst v0  }
0x5a: {  	v0 =	vld.idx.msk [tilespmem:v18+s14+$0x0], $0xffff;
	_ =	sdelay $0x4  }
0x5b: {  	v0 =	vmul.f32 v19, v0;
	_ =	sdelay $0x1  }
0x5c: {  	[tilespmem:$0x1690] =	vst v0  }
0x5d: {  	v0 =	vld.idx.msk [tilespmem:v20+s12+$0x0], $0xffff;
	_ =	sdelay $0x3  }
0x5e: {  	v21 =	vld [tilespmem:$0x12A0]  }
0x5f: {  	v22 =	vld [tilespmem:$0xB0];
	[tilespmem:$0x14A0] =	vst v0  }
0x60: {  	v0 =	vld.idx.msk [tilespmem:v20+s14+$0x0], $0xffff;
	_ =	sdelay $0x4  }
0x61: {  	v0 =	vmul.f32 v21, v0;
	_ =	sdelay $0x1  }
0x62: {  	[tilespmem:$0x16A0] =	vst v0  }
0x63: {  	v0 =	vld.idx.msk [tilespmem:v22+s12+$0x0], $0xffff;
	_ =	sdelay $0x3  }
0x64: {  	v23 =	vld [tilespmem:$0x12B0]  }
0x65: {  	v24 =	vld [tilespmem:$0xC0];
	[tilespmem:$0x14B0] =	vst v0  }
0x66: {  	v0 =	vld.idx.msk [tilespmem:v22+s14+$0x0], $0xffff;
	_ =	sdelay $0x4  }
0x67: {  	v0 =	vmul.f32 v23, v0;
	_ =	sdelay $0x1  }
0x68: {  	[tilespmem:$0x16B0] =	vst v0  }
0x69: {  	v0 =	vld.idx.msk [tilespmem:v24+s12+$0x0], $0xffff;
	_ =	sdelay $0x3  }
0x6a: {  	v25 =	vld [tilespmem:$0x12C0]  }
0x6b: {  	v26 =	vld [tilespmem:$0xD0];
	[tilespmem:$0x14C0] =	vst v0  }
0x6c: {  	v0 =	vld.idx.msk [tilespmem:v24+s14+$0x0], $0xffff;
	_ =	sdelay $0x4  }
0x6d: {  	v0 =	vmul.f32 v25, v0;
	_ =	sdelay $0x1  }
0x6e: {  	[tilespmem:$0x16C0] =	vst v0  }
0x6f: {  	v0 =	vld.idx.msk [tilespmem:v26+s12+$0x0], $0xffff;
	_ =	sdelay $0x3  }
0x70: {  	v27 =	vld [tilespmem:$0x12D0]  }
0x71: {  	v28 =	vld [tilespmem:$0xE0];
	[tilespmem:$0x14D0] =	vst v0  }
0x72: {  	v0 =	vld.idx.msk [tilespmem:v26+s14+$0x0], $0xffff;
	_ =	sdelay $0x4  }
0x73: {  	v0 =	vmul.f32 v27, v0;
	_ =	sdelay $0x1  }
0x74: {  	[tilespmem:$0x16D0] =	vst v0  }
0x75: {  	v0 =	vld.idx.msk [tilespmem:v28+s12+$0x0], $0xffff;
	_ =	sdelay $0x3  }
0x76: {  	v29 =	vld [tilespmem:$0x12E0]  }
0x77: {  	v30 =	vld [tilespmem:$0xF0];
	[tilespmem:$0x14E0] =	vst v0  }
0x78: {  	v0 =	vld.idx.msk [tilespmem:v28+s14+$0x0], $0xffff;
	_ =	sdelay $0x4  }
0x79: {  	v0 =	vmul.f32 v29, v0;
	_ =	sdelay $0x1  }
0x7a: {  	[tilespmem:$0x16E0] =	vst v0  }
0x7b: {  	v0 =	vld.idx.msk [tilespmem:v30+s12+$0x0], $0xffff;
	_ =	sdelay $0x3  }
0x7c: {  	v31 =	vld [tilespmem:$0x12F0]  }
0x7d: {  	v32 =	vld [tilespmem:$0x100];
	[tilespmem:$0x14F0] =	vst v0  }
0x7e: {  	v0 =	vld.idx.msk [tilespmem:v30+s14+$0x0], $0xffff;
	_ =	sdelay $0x4  }
0x7f: {  	v0 =	vmul.f32 v31, v0;
	_ =	sdelay $0x1  }
0x80: {  	[tilespmem:$0x16F0] =	vst v0  }
0x81: {  	v0 =	vld.idx.msk [tilespmem:v32+s12+$0x0], $0xffff;
	_ =	sdelay $0x3  }
0x82: {  	v33 =	vld [tilespmem:$0x1300]  }
0x83: {  	v34 =	vld [tilespmem:$0x110];
	[tilespmem:$0x1500] =	vst v0  }
0x84: {  	v0 =	vld.idx.msk [tilespmem:v32+s14+$0x0], $0xffff;
	_ =	sdelay $0x4  }
0x85: {  	v0 =	vmul.f32 v33, v0;
	_ =	sdelay $0x1  }
0x86: {  	[tilespmem:$0x1700] =	vst v0  }
0x87: {  	v0 =	vld.idx.msk [tilespmem:v34+s12+$0x0], $0xffff;
	_ =	sdelay $0x3  }
0x88: {  	v35 =	vld [tilespmem:$0x1310]  }
0x89: {  	v36 =	vld [tilespmem:$0x120];
	[tilespmem:$0x1510] =	vst v0  }
0x8a: {  	v0 =	vld.idx.msk [tilespmem:v34+s14+$0x0], $0xffff;
	_ =	sdelay $0x4  }
0x8b: {  	v0 =	vmul.f32 v35, v0;
	_ =	sdelay $0x1  }
0x8c: {  	[tilespmem:$0x1710] =	vst v0  }
0x8d: {  	v0 =	vld.idx.msk [tilespmem:v36+s12+$0x0], $0xffff;
	_ =	sdelay $0x3  }
0x8e: {  	v37 =	vld [tilespmem:$0x1320]  }
0x8f: {  	v38 =	vld [tilespmem:$0x130];
	[tilespmem:$0x1520] =	vst v0  }
0x90: {  	v0 =	vld.idx.msk [tilespmem:v36+s14+$0x0], $0xffff;
	_ =	sdelay $0x4  }
0x91: {  	v0 =	vmul.f32 v37, v0;
	_ =	sdelay $0x1  }
0x92: {  	[tilespmem:$0x1720] =	vst v0  }
0x93: {  	v0 =	vld.idx.msk [tilespmem:v38+s12+$0x0], $0xffff;
	_ =	sdelay $0x3  }
0x94: {  	v39 =	vld [tilespmem:$0x1330]  }
0x95: {  	v40 =	vld [tilespmem:$0x140];
	[tilespmem:$0x1530] =	vst v0  }
0x96: {  	v0 =	vld.idx.msk [tilespmem:v38+s14+$0x0], $0xffff;
	_ =	sdelay $0x4  }
0x97: {  	v0 =	vmul.f32 v39, v0;
	_ =	sdelay $0x1  }
0x98: {  	[tilespmem:$0x1730] =	vst v0  }
0x99: {  	v0 =	vld.idx.msk [tilespmem:v40+s12+$0x0], $0xffff;
	_ =	sdelay $0x3  }
0x9a: {  	v41 =	vld [tilespmem:$0x1340]  }
0x9b: {  	v42 =	vld [tilespmem:$0x150];
	[tilespmem:$0x1540] =	vst v0  }
0x9c: {  	v0 =	vld.idx.msk [tilespmem:v40+s14+$0x0], $0xffff;
	_ =	sdelay $0x4  }
0x9d: {  	v0 =	vmul.f32 v41, v0;
	_ =	sdelay $0x1  }
0x9e: {  	[tilespmem:$0x1740] =	vst v0  }
0x9f: {  	v0 =	vld.idx.msk [tilespmem:v42+s12+$0x0], $0xffff;
	_ =	sdelay $0x3  }
0xa0: {  	v43 =	vld [tilespmem:$0x1350]  }
0xa1: {  	v44 =	vld [tilespmem:$0x160];
	[tilespmem:$0x1550] =	vst v0  }
0xa2: {  	v0 =	vld.idx.msk [tilespmem:v42+s14+$0x0], $0xffff;
	_ =	sdelay $0x4  }
0xa3: {  	v0 =	vmul.f32 v43, v0;
	_ =	sdelay $0x1  }
0xa4: {  	[tilespmem:$0x1750] =	vst v0  }
0xa5: {  	v0 =	vld.idx.msk [tilespmem:v44+s12+$0x0], $0xffff;
	_ =	sdelay $0x3  }
0xa6: {  	v45 =	vld [tilespmem:$0x1360]  }
0xa7: {  	v46 =	vld [tilespmem:$0x170];
	[tilespmem:$0x1560] =	vst v0  }
0xa8: {  	v0 =	vld.idx.msk [tilespmem:v44+s14+$0x0], $0xffff;
	_ =	sdelay $0x4  }
0xa9: {  	v0 =	vmul.f32 v45, v0;
	_ =	sdelay $0x1  }
0xaa: {  	[tilespmem:$0x1760] =	vst v0  }
0xab: {  	v0 =	vld.idx.msk [tilespmem:v46+s12+$0x0], $0xffff;
	_ =	sdelay $0x3  }
0xac: {  	v47 =	vld [tilespmem:$0x1370]  }
0xad: {  	v48 =	vld [tilespmem:$0x180];
	[tilespmem:$0x1570] =	vst v0  }
0xae: {  	v0 =	vld.idx.msk [tilespmem:v46+s14+$0x0], $0xffff;
	_ =	sdelay $0x4  }
0xaf: {  	v0 =	vmul.f32 v47, v0;
	_ =	sdelay $0x1  }
0xb0: {  	[tilespmem:$0x1770] =	vst v0  }
0xb1: {  	v0 =	vld.idx.msk [tilespmem:v48+s12+$0x0], $0xffff;
	_ =	sdelay $0x3  }
0xb2: {  	v49 =	vld [tilespmem:$0x1380]  }
0xb3: {  	v50 =	vld [tilespmem:$0x190];
	[tilespmem:$0x1580] =	vst v0  }
0xb4: {  	v0 =	vld.idx.msk [tilespmem:v48+s14+$0x0], $0xffff;
	_ =	sdelay $0x4  }
0xb5: {  	v0 =	vmul.f32 v49, v0;
	_ =	sdelay $0x1  }
0xb6: {  	[tilespmem:$0x1780] =	vst v0  }
0xb7: {  	v0 =	vld.idx.msk [tilespmem:v50+s12+$0x0], $0xffff;
	_ =	sdelay $0x3  }
0xb8: {  	v51 =	vld [tilespmem:$0x1390]  }
0xb9: {  	v52 =	vld [tilespmem:$0x1A0];
	[tilespmem:$0x1590] =	vst v0  }
0xba: {  	v0 =	vld.idx.msk [tilespmem:v50+s14+$0x0], $0xffff;
	_ =	sdelay $0x4  }
0xbb: {  	v0 =	vmul.f32 v51, v0;
	_ =	sdelay $0x1  }
0xbc: {  	[tilespmem:$0x1790] =	vst v0  }
0xbd: {  	v0 =	vld.idx.msk [tilespmem:v52+s12+$0x0], $0xffff;
	_ =	sdelay $0x3  }
0xbe: {  	v53 =	vld [tilespmem:$0x13A0]  }
0xbf: {  	v54 =	vld [tilespmem:$0x1B0];
	[tilespmem:$0x15A0] =	vst v0  }
0xc0: {  	v0 =	vld.idx.msk [tilespmem:v52+s14+$0x0], $0xffff;
	_ =	sdelay $0x4  }
0xc1: {  	v0 =	vmul.f32 v53, v0;
	_ =	sdelay $0x1  }
0xc2: {  	[tilespmem:$0x17A0] =	vst v0  }
0xc3: {  	v0 =	vld.idx.msk [tilespmem:v54+s12+$0x0], $0xffff;
	_ =	sdelay $0x3  }
0xc4: {  	v55 =	vld [tilespmem:$0x13B0]  }
0xc5: {  	v56 =	vld [tilespmem:$0x1C0];
	[tilespmem:$0x15B0] =	vst v0  }
0xc6: {  	v0 =	vld.idx.msk [tilespmem:v54+s14+$0x0], $0xffff;
	_ =	sdelay $0x4  }
0xc7: {  	v0 =	vmul.f32 v55, v0;
	_ =	sdelay $0x1  }
0xc8: {  	[tilespmem:$0x17B0] =	vst v0  }
0xc9: {  	v0 =	vld.idx.msk [tilespmem:v56+s12+$0x0], $0xffff;
	_ =	sdelay $0x3  }
0xca: {  	v57 =	vld [tilespmem:$0x13C0]  }
0xcb: {  	v58 =	vld [tilespmem:$0x1D0];
	[tilespmem:$0x15C0] =	vst v0  }
0xcc: {  	v0 =	vld.idx.msk [tilespmem:v56+s14+$0x0], $0xffff;
	_ =	sdelay $0x4  }
0xcd: {  	v0 =	vmul.f32 v57, v0;
	_ =	sdelay $0x1  }
0xce: {  	[tilespmem:$0x17C0] =	vst v0  }
0xcf: {  	v0 =	vld.idx.msk [tilespmem:v58+s12+$0x0], $0xffff;
	_ =	sdelay $0x3  }
0xd0: {  	v59 =	vld [tilespmem:$0x13D0]  }
0xd1: {  	v60 =	vld [tilespmem:$0x1E0];
	[tilespmem:$0x15D0] =	vst v0  }
0xd2: {  	v0 =	vld.idx.msk [tilespmem:v58+s14+$0x0], $0xffff;
	_ =	sdelay $0x4  }
0xd3: {  	v0 =	vmul.f32 v59, v0;
	_ =	sdelay $0x1  }
0xd4: {  	[tilespmem:$0x17D0] =	vst v0  }
0xd5: {  	v0 =	vld.idx.msk [tilespmem:v60+s12+$0x0], $0xffff;
	_ =	sdelay $0x3  }
0xd6: {  	v61 =	vld [tilespmem:$0x13E0]  }
0xd7: {  	v62 =	vld [tilespmem:$0x1F0];
	[tilespmem:$0x15E0] =	vst v0  }
0xd8: {  	v0 =	vld.idx.msk [tilespmem:v60+s14+$0x0], $0xffff;
	_ =	sdelay $0x4  }
0xd9: {  	v0 =	vmul.f32 v61, v0;
	_ =	sdelay $0x1  }
0xda: {  	[tilespmem:$0x17E0] =	vst v0  }
0xdb: {  	v0 =	vld.idx.msk [tilespmem:v62+s12+$0x0], $0xffff;
	_ =	sdelay $0x4  }
0xdc: {  	v63 =	vld [tilespmem:$0x13F0];
	[tilespmem:$0x15F0] =	vst v0  }
0xdd: {  	v0 =	vld.idx.msk [tilespmem:v62+s14+$0x0], $0xffff;
	_ =	sdelay $0x4  }
0xde: {  	v0 =	vmul.f32 v63, v0;
	_ =	sdelay $0x1  }
0xdf: {  	[tilespmem:$0x17F0] =	vst v0  }
0xe0: {  	[hbm4b:s7+s2] =	stream.linear.scatter [tilespmem:s16], [sflag:$0x1], $0x200, $0x38;
	[tilespmem:$0x1800] =	vst v63  }
0xe1: {  	_ =	swait.ge [sflag:s13], $0x200  }
0xe2: {  	p0 =	sne.s32 s9, $0x1;
	[sflag:s13] =	ssyncset.done $0x0  }
.Ltmp0:
0xe3: {  	[sflag:s13] =	ssyncadd.s32 $0xFFFFFE00;
	(pc) =	sbr.rel @p0 .LBB2_1-.Ltmp0, $4  }
0xe4: {  	[hbm4b:s8+s2] =	stream.linear.scatter [tilespmem:s17], [sflag:$0x1], $0x200, $0x38;
	[tilespmem:$0x1800] =	vst v63  }
0xe5: {  	_ =	swait.ge [sflag:s13], $0x200  }
0xe6: {  	[sflag:s13] =	ssyncset.done $0x0  }
0xe7: {  	s9 =	sadd.s32 $0xFFFFFFFF, s9;
	[sflag:s13] =	ssyncadd.s32 $0xFFFFFE00  }
0xe8: {  	_ =	sfence.sel $0x180000  }
0xe9: {  	[bflag:$0x0] =	sbarrier.arrive $0xFFFF  }
0xea: {  	p0 =	sne.s32 s1, $0x0;
	_ =	strace $0x90000047  }
0xeb: {  	s0 =	sadd.s32 @!p0 $0x100000, s0;
	[bflag:$0x2] =	sbarrier.arrive $0xFFFF  }
0xec: {  	[sflag:s0] =	ssyncadd.tile.s32 @!p0 $0x1;
	_ =	shalt  }
.Lfunc_end2:
_tile_overlayer_lowered:
.L_overlay_start_2:
0xed: {  	(tag) =	ssettag $0x2  }
0xee: {  	s0 =	rddreg [dreg:$0x0];
	s2 =	stileid.u32  }
0xef: {  	s1 =	rddreg [dreg:$0x1];
	p0 =	sne.s32 s2, $0x0  }
0xf0: {  	s3 =	rddreg [dreg:$0x2];
	[bflag:$0x3] =	sbarrier.arrive $0xFFFF;
	s2 =	simm.s32 @!p0 $0x1C01  }
0xf1: {  	[timem:s3], [sflag:s2] =	dma.local @!p0 [hbm:s0], s1  }
0xf2: {  	s0 =	simm.s32 @!p0 $0x1  }
0xf3: {  	_ =	swait.ge @!p0 [sflag:s0], s1  }
0xf4: {  	s1 =	ssub.s32 @!p0 $0x0, s1;
	[sflag:s0] =	ssyncset.done @!p0 $0x0  }
0xf5: {  	[sflag:s0] =	ssyncadd.s32 @!p0 s1  }
0xf6: {  	[bflag:$0x3] =	sbarrier.arrive $0xFFFF  }
0xf7: {  	_ =	shalt  }

</sc_bundles>
